<compile_context>
chip_gen: v7x
topology: tpu7x:2x2x1
jax: 0.10.2.dev20260603
libtpu: 0.0.44.dev20260713+nightly
codegen_flags: <defaults>
</compile_context>

<pallas_src>
import functools

import jax
import jax.numpy as jnp
from jax import lax
from jax.experimental import pallas as pl
from jax.experimental.pallas import tpu as pltpu
from jax.experimental.pallas import tpu_sc as plsc

_CHUNK = 80


def _sc_gather(table2, idx3):
    V2, D = table2.shape
    NW, n_chunks, C = idx3.shape
    N = NW * n_chunks * C
    n_per_w = n_chunks * C
    half_chunks = n_chunks // 2
    half_rows = n_per_w // 2

    mesh = plsc.VectorSubcoreMesh(core_axis_name="c", subcore_axis_name="s")

    @functools.partial(
        pl.kernel,
        mesh=mesh,
        out_type=jax.ShapeDtypeStruct((N, D), jnp.float32),
        scratch_types=[
            pltpu.VMEM((n_chunks, C), jnp.int32),
            pltpu.VMEM((half_rows, D), jnp.float32),
            pltpu.SemaphoreType.DMA,
        ],
    )
    def gather_kernel(table_hbm, idx_hbm, out_hbm, idx_v, rows_v, sem):
        nc = lax.axis_index("c")
        ns = lax.axis_index("s")
        wid = ns * 2 + nc
        base = wid * n_per_w
        pltpu.sync_copy(idx_hbm.at[wid], idx_v)
        for half in range(2):
            copies = [
                pltpu.async_copy(
                    table_hbm.at[idx_v.at[half * half_chunks + j]],
                    rows_v.at[pl.ds(j * C, C)],
                    sem,
                )
                for j in range(half_chunks)
            ]
            for c in copies:
                c.wait()
            pltpu.sync_copy(
                rows_v, out_hbm.at[pl.ds(base + half * half_rows, half_rows)]
            )

    return gather_kernel(table2, idx3)


def _transpose_step(lo_ref, hi_ref, out_ref, *, E):
    out_ref[:, :E] = jnp.transpose(lo_ref[...], (1, 0))
    out_ref[:, E:] = jnp.transpose(hi_ref[...], (1, 0))


def _tc_table(tableT, n_blocks, ct):
    E, V = tableT.shape
    half = n_blocks * ct
    return pl.pallas_call(
        functools.partial(_transpose_step, E=E),
        grid=(n_blocks,),
        in_specs=[
            pl.BlockSpec((E, ct), lambda g: (0, g)),
            pl.BlockSpec(
                (E, ct),
                lambda g, nb=n_blocks, mx=(V - 1) // ct: (
                    0, jnp.minimum(g + nb, mx)),
            ),
        ],
        out_specs=pl.BlockSpec((ct, 2 * E), lambda g: (g, 0)),
        out_shape=jax.ShapeDtypeStruct((half, 2 * E), jnp.float32),
    )(tableT, tableT)


def _rnn_step(emb_ref, e01_ref, lens_ref, w2_ref, whh_ref, b_ref,
              out_ref, hid_ref, h_ref, *, L, H):
    t = pl.program_id(0)

    @pl.when(t == 0)
    def _init():
        h_ref[...] = jnp.zeros_like(h_ref)

    p = jnp.dot(emb_ref[0], w2_ref[...], preferred_element_type=jnp.float32)
    r = lax.broadcasted_iota(jnp.int32, (2 * L, 2), 0)
    c = lax.broadcasted_iota(jnp.int32, (2 * L, 2), 1)
    sel = (r == t + c * L).astype(jnp.float32)
    e = jnp.dot(e01_ref[...], sel, preferred_element_type=jnp.float32)
    e0 = e[:, 0:1]
    e1 = e[:, 1:2]
    x = p[:, :H] * e0 + p[:, H:] * e1
    h = h_ref[...]
    acc = x + jnp.dot(h, whh_ref[...], preferred_element_type=jnp.float32)
    h_new = jnp.tanh(acc + b_ref[...])
    valid = t < lens_ref[...]
    h_next = jnp.where(valid, h_new, h)
    h_ref[...] = h_next
    out_ref[0] = jnp.where(valid, h_new, 0.0)

    @pl.when(t == L - 1)
    def _fin():
        hid_ref[...] = h_next


def _tc_rnn(emb2, e01, lens2, w2, whh_t, bias, *, interpret=False):
    L, B, D = emb2.shape
    H = whh_t.shape[0]
    grid = (L,)
    out_shapes = (
        jax.ShapeDtypeStruct((L, B, H), jnp.float32),
        jax.ShapeDtypeStruct((B, H), jnp.float32),
    )
    return pl.pallas_call(
        functools.partial(_rnn_step, L=L, H=H),
        grid=grid,
        in_specs=[
            pl.BlockSpec((1, B, D), lambda t: (t, 0, 0)),
            pl.BlockSpec((B, 2 * L), lambda t: (0, 0)),
            pl.BlockSpec((B, 1), lambda t: (0, 0)),
            pl.BlockSpec((D, 2 * H), lambda t: (0, 0)),
            pl.BlockSpec((H, H), lambda t: (0, 0)),
            pl.BlockSpec((1, H), lambda t: (0, 0)),
        ],
        out_specs=(
            pl.BlockSpec((1, B, H), lambda t: (t, 0, 0)),
            pl.BlockSpec((B, H), lambda t: (0, 0)),
        ),
        out_shape=out_shapes,
        scratch_shapes=[pltpu.VMEM((B, H), jnp.float32)],
        compiler_params=pltpu.CompilerParams(
            dimension_semantics=("arbitrary",),
        ),
        interpret=interpret,
    )(emb2, e01, lens2, w2, whh_t, bias)


def kernel(src, lens, table, W_ih, W_hh, b_ih, b_hh):
    B, L = src.shape
    V, E = table.shape
    H = W_hh.shape[0]
    NW = 32

    ct = 2048
    half = -(-V // (2 * ct)) * ct
    n_blocks = half // ct
    table2 = _tc_table(table.T, n_blocks, ct)
    srcT = src.T.reshape(-1).astype(jnp.int32)
    idx_half = jnp.where(srcT < half, srcT, srcT - half)
    n_chunks = (L * B) // (NW * _CHUNK)
    idx3 = idx_half.reshape(NW, n_chunks, _CHUNK)
    rows = _sc_gather(table2, idx3)
    emb2 = rows.reshape(L, B, 2 * E)

    lens2 = lens.astype(jnp.int32).reshape(B, 1)
    wih_t = W_ih.T
    w2 = jnp.zeros((2 * E, 2 * H), jnp.float32)
    w2 = w2.at[:E, :H].set(wih_t).at[E:, H:].set(wih_t)
    bias = (b_ih + b_hh).reshape(1, H)

    e0m = ((src != 0) & (src < half)).astype(jnp.float32)
    e1m = (src >= half).astype(jnp.float32)
    e01 = jnp.concatenate([e0m, e1m], axis=1)

    out, hT = _tc_rnn(emb2, e01, lens2, w2, W_hh.T, bias)
    return jnp.transpose(out, (1, 0, 2)), hT[None]

# --- scband reference (transcript-rebuilt; emitter-appended) ---
"""Pipeline reference for scband-encoder-rnn-75067438400082 (READ-ONLY COPY).

The authoritative reference and input builder live on the scoring server;
editing this copy changes nothing except your own understanding.
"""

import jax, jax.numpy as jnp
import numpy as np

VOCAB = 100000
EMB = 64
HID = 128
B = 1024
L = 50


def setup_inputs(seed: int = 0) -> dict:
    key = jax.random.key(seed)
    k1, k2, k3, k4, k5, k6 = jax.random.split(key, 6)
    src = jax.random.randint(k1, (B, L), 0, VOCAB)
    # lengths in [1, L]; ensure at least one full-length sequence so padded
    # output has exactly L time steps (matches pad_packed_sequence)
    lens = jax.random.randint(k2, (B,), 1, L + 1)
    lens = lens.at[0].set(L)
    s = 1.0 / np.sqrt(HID)
    table = jax.random.normal(k3, (VOCAB, EMB), dtype=jnp.float32) * 0.05
    W_ih = jax.random.uniform(k4, (HID, EMB), dtype=jnp.float32, minval=-s, maxval=s)
    W_hh = jax.random.uniform(k5, (HID, HID), dtype=jnp.float32, minval=-s, maxval=s)
    b = jax.random.uniform(k6, (2, HID), dtype=jnp.float32, minval=-s, maxval=s)
    return {"src": src, "lens": lens, "table": table, "W_ih": W_ih,
            "W_hh": W_hh, "b_ih": b[0], "b_hh": b[1]}


def reference(src, lens, table, W_ih, W_hh, b_ih, b_hh):
    # nn.Embedding with padding_idx=0: row 0 is zero
    table_eff = table.at[0].set(0.0)
    emb = jnp.take(table_eff, src, axis=0)            # [B, L, E]
    x_seq = jnp.transpose(emb, (1, 0, 2))             # [L, B, E]
    # mask[t, b] = t < lens[b]  (packed RNN only processes valid steps)
    mask = (jnp.arange(L)[:, None] < lens[None, :])[:, :, None]  # [L, B, 1]
    h0 = jnp.zeros((B, HID), dtype=jnp.float32)

    def step(h, xs):
        x_t, m_t = xs
        h_new = jnp.tanh(x_t @ W_ih.T + b_ih + h @ W_hh.T + b_hh)
        h_next = jnp.where(m_t, h_new, h)             # freeze state past length
        out_t = jnp.where(m_t, h_new, 0.0)            # pad_packed pads with 0
        return h_next, out_t

    hT, outs = jax.lax.scan(step, h0, (x_seq, mask))
    out = jnp.transpose(outs, (1, 0, 2))              # [B, L, HID] batch_first
    hidden = hT[None, :, :]                           # [num_layers=1, B, HID]
    return out, hidden

if __name__ == "__main__":
    import jax
    _d = setup_inputs()
    print(jax.jit(kernel)(*tuple(_d.values())))

</pallas_src>

<mosaic_0001>
#map = affine_map<(d0, d1) -> (0, 0)>
#map1 = affine_map<(d0, d1) -> (0, 0, 0)>
module attributes {stable_mosaic.version = 14 : i64} {
  func.func @gather_kernel(%arg0: i32, %arg1: i32, %arg2: memref<51200x128xf32, #tpu.memory_space<hbm>>, %arg3: memref<32x20x80xi32, #tpu.memory_space<hbm>>, %arg4: memref<51200x128xf32, #tpu.memory_space<hbm>>, %arg5: memref<20x80xi32, #tpu.memory_space<vmem>>, %arg6: memref<800x128xf32, #tpu.memory_space<vmem>>, %arg7: memref<!tpu.dma_semaphore, #tpu.memory_space<semaphore_mem>>) attributes {dimension_semantics = [#tpu.dimension_semantics<core_parallel>, #tpu.dimension_semantics<subcore_parallel>], iteration_bounds = array<i64: 2, 16>, scalar_prefetch = 0 : i64, scratch_operands = 3 : i64, tpu.core_type = #tpu.core_type<sc_vector_subcore>, window_params = [{transform_indices = #map}, {transform_indices = #map1}, {transform_indices = #map}]} {
    %mul3A = arith.constant 2 : i32
    %mul3A_0 = arith.muli %arg1, %mul3A : i32
    %add3A = arith.addi %mul3A_0, %arg0 : i32
    %mul3A_1 = arith.constant 1600 : i32
    %mul3A_2 = arith.muli %add3A, %mul3A_1 : i32
    "tpu.region"() ({
      %run_scoped3A = tpu.sem_alloc : memref<!tpu.dma_semaphore, #tpu.memory_space<semaphore_mem>>
      %dma_start3A_405 = arith.constant 0 : i32
      %dma_start3A_406 = arith.constant 0 : i32
      %dma_start3A_407 = tpu.memref_slice %arg3[%add3A, %dma_start3A_405, %dma_start3A_406] : memref<32x20x80xi32, #tpu.memory_space<hbm>> -> memref<1x20x80xi32, #tpu.memory_space<hbm>>
      %dma_start3A_408 = tpu.memref_squeeze %dma_start3A_407 : memref<1x20x80xi32, #tpu.memory_space<hbm>> -> memref<20x80xi32, #tpu.memory_space<hbm>>
      %dma_start3A_409 = arith.constant 0 : i32
      %dma_start3A_410 = arith.constant 0 : i32
      %dma_start3A_411 = tpu.memref_slice %arg3[%add3A, %dma_start3A_409, %dma_start3A_410] : memref<32x20x80xi32, #tpu.memory_space<hbm>> -> memref<1x20x80xi32, #tpu.memory_space<hbm>>
      %dma_start3A_412 = tpu.memref_squeeze %dma_start3A_411 : memref<1x20x80xi32, #tpu.memory_space<hbm>> -> memref<20x80xi32, #tpu.memory_space<hbm>>
      tpu.enqueue_dma source(%dma_start3A_412 : memref<20x80xi32, #tpu.memory_space<hbm>>) target(%arg5 : memref<20x80xi32, #tpu.memory_space<vmem>>) target_semaphore(%run_scoped3A : memref<!tpu.dma_semaphore, #tpu.memory_space<semaphore_mem>>)
      %dma_wait3A_413 = arith.constant 0 : i32
      %dma_wait3A_414 = arith.constant 0 : i32
      %dma_wait3A_415 = tpu.memref_slice %arg3[%add3A, %dma_wait3A_413, %dma_wait3A_414] : memref<32x20x80xi32, #tpu.memory_space<hbm>> -> memref<1x20x80xi32, #tpu.memory_space<hbm>>
      %dma_wait3A_416 = tpu.memref_squeeze %dma_wait3A_415 : memref<1x20x80xi32, #tpu.memory_space<hbm>> -> memref<20x80xi32, #tpu.memory_space<hbm>>
      %dma_wait3A_417 = arith.constant 0 : i32
      %dma_wait3A_418 = arith.constant 0 : i32
      %dma_wait3A_419 = tpu.memref_slice %arg3[%add3A, %dma_wait3A_417, %dma_wait3A_418] : memref<32x20x80xi32, #tpu.memory_space<hbm>> -> memref<1x20x80xi32, #tpu.memory_space<hbm>>
      %dma_wait3A_420 = tpu.memref_squeeze %dma_wait3A_419 : memref<1x20x80xi32, #tpu.memory_space<hbm>> -> memref<20x80xi32, #tpu.memory_space<hbm>>
      tpu.wait_dma2 semaphore(%run_scoped3A : memref<!tpu.dma_semaphore, #tpu.memory_space<semaphore_mem>>) src(%dma_wait3A_420 : memref<20x80xi32, #tpu.memory_space<hbm>>) dst(%arg5 : memref<20x80xi32, #tpu.memory_space<vmem>>)
      tpu.yield
    }) : () -> ()
    %dma_start3A = arith.constant 0 : i32
    %dma_start3A_3 = arith.constant 0 : i32
    %dma_start3A_4 = arith.constant 0 : i32
    %dma_start3A_5 = tpu.memref_slice %arg6[%dma_start3A_3, %dma_start3A_4] : memref<800x128xf32, #tpu.memory_space<vmem>> -> memref<80x128xf32, #tpu.memory_space<vmem>>
    %dma_start3A_6 = arith.constant 0 : i32
    %dma_start3A_7 = tpu.memref_slice %arg5[%dma_start3A, %dma_start3A_6] : memref<20x80xi32, #tpu.memory_space<vmem>> -> memref<1x80xi32, #tpu.memory_space<vmem>>
    %dma_start3A_8 = tpu.memref_squeeze %dma_start3A_7 : memref<1x80xi32, #tpu.memory_space<vmem>> -> memref<80xi32, #tpu.memory_space<vmem>>
    %dma_start3A_9 = arith.constant 0 : i32
    %dma_start3A_10 = arith.constant 0 : i32
    %dma_start3A_11 = tpu.memref_slice %arg2[%dma_start3A_9, %dma_start3A_10] : memref<51200x128xf32, #tpu.memory_space<hbm>> -> memref<51200x128xf32, #tpu.memory_space<hbm>>
    tpu.enqueue_indirect_dma source(%dma_start3A_11 : memref<51200x128xf32, #tpu.memory_space<hbm>>) target(%dma_start3A_5 : memref<80x128xf32, #tpu.memory_space<vmem>>) offsets(%dma_start3A_8 : memref<80xi32, #tpu.memory_space<vmem>>) semaphore(%arg7 : memref<!tpu.dma_semaphore, #tpu.memory_space<semaphore_mem>>)
    %dma_start3A_12 = arith.constant 1 : i32
    %dma_start3A_13 = arith.constant 80 : i32
    %dma_start3A_14 = arith.constant 0 : i32
    %dma_start3A_15 = tpu.memref_slice %arg6[%dma_start3A_13, %dma_start3A_14] : memref<800x128xf32, #tpu.memory_space<vmem>> -> memref<80x128xf32, #tpu.memory_space<vmem>>
    %dma_start3A_16 = arith.constant 0 : i32
    %dma_start3A_17 = tpu.memref_slice %arg5[%dma_start3A_12, %dma_start3A_16] : memref<20x80xi32, #tpu.memory_space<vmem>> -> memref<1x80xi32, #tpu.memory_space<vmem>>
    %dma_start3A_18 = tpu.memref_squeeze %dma_start3A_17 : memref<1x80xi32, #tpu.memory_space<vmem>> -> memref<80xi32, #tpu.memory_space<vmem>>
    %dma_start3A_19 = arith.constant 0 : i32
    %dma_start3A_20 = arith.constant 0 : i32
    %dma_start3A_21 = tpu.memref_slice %arg2[%dma_start3A_19, %dma_start3A_20] : memref<51200x128xf32, #tpu.memory_space<hbm>> -> memref<51200x128xf32, #tpu.memory_space<hbm>>
    tpu.enqueue_indirect_dma source(%dma_start3A_21 : memref<51200x128xf32, #tpu.memory_space<hbm>>) target(%dma_start3A_15 : memref<80x128xf32, #tpu.memory_space<vmem>>) offsets(%dma_start3A_18 : memref<80xi32, #tpu.memory_space<vmem>>) semaphore(%arg7 : memref<!tpu.dma_semaphore, #tpu.memory_space<semaphore_mem>>)
    %dma_start3A_22 = arith.constant 2 : i32
    %dma_start3A_23 = arith.constant 160 : i32
    %dma_start3A_24 = arith.constant 0 : i32
    %dma_start3A_25 = tpu.memref_slice %arg6[%dma_start3A_23, %dma_start3A_24] : memref<800x128xf32, #tpu.memory_space<vmem>> -> memref<80x128xf32, #tpu.memory_space<vmem>>
    %dma_start3A_26 = arith.constant 0 : i32
    %dma_start3A_27 = tpu.memref_slice %arg5[%dma_start3A_22, %dma_start3A_26] : memref<20x80xi32, #tpu.memory_space<vmem>> -> memref<1x80xi32, #tpu.memory_space<vmem>>
    %dma_start3A_28 = tpu.memref_squeeze %dma_start3A_27 : memref<1x80xi32, #tpu.memory_space<vmem>> -> memref<80xi32, #tpu.memory_space<vmem>>
    %dma_start3A_29 = arith.constant 0 : i32
    %dma_start3A_30 = arith.constant 0 : i32
    %dma_start3A_31 = tpu.memref_slice %arg2[%dma_start3A_29, %dma_start3A_30] : memref<51200x128xf32, #tpu.memory_space<hbm>> -> memref<51200x128xf32, #tpu.memory_space<hbm>>
    tpu.enqueue_indirect_dma source(%dma_start3A_31 : memref<51200x128xf32, #tpu.memory_space<hbm>>) target(%dma_start3A_25 : memref<80x128xf32, #tpu.memory_space<vmem>>) offsets(%dma_start3A_28 : memref<80xi32, #tpu.memory_space<vmem>>) semaphore(%arg7 : memref<!tpu.dma_semaphore, #tpu.memory_space<semaphore_mem>>)
    %dma_start3A_32 = arith.constant 3 : i32
    %dma_start3A_33 = arith.constant 240 : i32
    %dma_start3A_34 = arith.constant 0 : i32
    %dma_start3A_35 = tpu.memref_slice %arg6[%dma_start3A_33, %dma_start3A_34] : memref<800x128xf32, #tpu.memory_space<vmem>> -> memref<80x128xf32, #tpu.memory_space<vmem>>
    %dma_start3A_36 = arith.constant 0 : i32
    %dma_start3A_37 = tpu.memref_slice %arg5[%dma_start3A_32, %dma_start3A_36] : memref<20x80xi32, #tpu.memory_space<vmem>> -> memref<1x80xi32, #tpu.memory_space<vmem>>
    %dma_start3A_38 = tpu.memref_squeeze %dma_start3A_37 : memref<1x80xi32, #tpu.memory_space<vmem>> -> memref<80xi32, #tpu.memory_space<vmem>>
    %dma_start3A_39 = arith.constant 0 : i32
    %dma_start3A_40 = arith.constant 0 : i32
    %dma_start3A_41 = tpu.memref_slice %arg2[%dma_start3A_39, %dma_start3A_40] : memref<51200x128xf32, #tpu.memory_space<hbm>> -> memref<51200x128xf32, #tpu.memory_space<hbm>>
    tpu.enqueue_indirect_dma source(%dma_start3A_41 : memref<51200x128xf32, #tpu.memory_space<hbm>>) target(%dma_start3A_35 : memref<80x128xf32, #tpu.memory_space<vmem>>) offsets(%dma_start3A_38 : memref<80xi32, #tpu.memory_space<vmem>>) semaphore(%arg7 : memref<!tpu.dma_semaphore, #tpu.memory_space<semaphore_mem>>)
    %dma_start3A_42 = arith.constant 4 : i32
    %dma_start3A_43 = arith.constant 320 : i32
    %dma_start3A_44 = arith.constant 0 : i32
    %dma_start3A_45 = tpu.memref_slice %arg6[%dma_start3A_43, %dma_start3A_44] : memref<800x128xf32, #tpu.memory_space<vmem>> -> memref<80x128xf32, #tpu.memory_space<vmem>>
    %dma_start3A_46 = arith.constant 0 : i32
    %dma_start3A_47 = tpu.memref_slice %arg5[%dma_start3A_42, %dma_start3A_46] : memref<20x80xi32, #tpu.memory_space<vmem>> -> memref<1x80xi32, #tpu.memory_space<vmem>>
    %dma_start3A_48 = tpu.memref_squeeze %dma_start3A_47 : memref<1x80xi32, #tpu.memory_space<vmem>> -> memref<80xi32, #tpu.memory_space<vmem>>
    %dma_start3A_49 = arith.constant 0 : i32
    %dma_start3A_50 = arith.constant 0 : i32
    %dma_start3A_51 = tpu.memref_slice %arg2[%dma_start3A_49, %dma_start3A_50] : memref<51200x128xf32, #tpu.memory_space<hbm>> -> memref<51200x128xf32, #tpu.memory_space<hbm>>
    tpu.enqueue_indirect_dma source(%dma_start3A_51 : memref<51200x128xf32, #tpu.memory_space<hbm>>) target(%dma_start3A_45 : memref<80x128xf32, #tpu.memory_space<vmem>>) offsets(%dma_start3A_48 : memref<80xi32, #tpu.memory_space<vmem>>) semaphore(%arg7 : memref<!tpu.dma_semaphore, #tpu.memory_space<semaphore_mem>>)
    %dma_start3A_52 = arith.constant 5 : i32
    %dma_start3A_53 = arith.constant 400 : i32
    %dma_start3A_54 = arith.constant 0 : i32
    %dma_start3A_55 = tpu.memref_slice %arg6[%dma_start3A_53, %dma_start3A_54] : memref<800x128xf32, #tpu.memory_space<vmem>> -> memref<80x128xf32, #tpu.memory_space<vmem>>
    %dma_start3A_56 = arith.constant 0 : i32
    %dma_start3A_57 = tpu.memref_slice %arg5[%dma_start3A_52, %dma_start3A_56] : memref<20x80xi32, #tpu.memory_space<vmem>> -> memref<1x80xi32, #tpu.memory_space<vmem>>
    %dma_start3A_58 = tpu.memref_squeeze %dma_start3A_57 : memref<1x80xi32, #tpu.memory_space<vmem>> -> memref<80xi32, #tpu.memory_space<vmem>>
    %dma_start3A_59 = arith.constant 0 : i32
    %dma_start3A_60 = arith.constant 0 : i32
    %dma_start3A_61 = tpu.memref_slice %arg2[%dma_start3A_59, %dma_start3A_60] : memref<51200x128xf32, #tpu.memory_space<hbm>> -> memref<51200x128xf32, #tpu.memory_space<hbm>>
    tpu.enqueue_indirect_dma source(%dma_start3A_61 : memref<51200x128xf32, #tpu.memory_space<hbm>>) target(%dma_start3A_55 : memref<80x128xf32, #tpu.memory_space<vmem>>) offsets(%dma_start3A_58 : memref<80xi32, #tpu.memory_space<vmem>>) semaphore(%arg7 : memref<!tpu.dma_semaphore, #tpu.memory_space<semaphore_mem>>)
    %dma_start3A_62 = arith.constant 6 : i32
    %dma_start3A_63 = arith.constant 480 : i32
    %dma_start3A_64 = arith.constant 0 : i32
    %dma_start3A_65 = tpu.memref_slice %arg6[%dma_start3A_63, %dma_start3A_64] : memref<800x128xf32, #tpu.memory_space<vmem>> -> memref<80x128xf32, #tpu.memory_space<vmem>>
    %dma_start3A_66 = arith.constant 0 : i32
    %dma_start3A_67 = tpu.memref_slice %arg5[%dma_start3A_62, %dma_start3A_66] : memref<20x80xi32, #tpu.memory_space<vmem>> -> memref<1x80xi32, #tpu.memory_space<vmem>>
    %dma_start3A_68 = tpu.memref_squeeze %dma_start3A_67 : memref<1x80xi32, #tpu.memory_space<vmem>> -> memref<80xi32, #tpu.memory_space<vmem>>
    %dma_start3A_69 = arith.constant 0 : i32
    %dma_start3A_70 = arith.constant 0 : i32
    %dma_start3A_71 = tpu.memref_slice %arg2[%dma_start3A_69, %dma_start3A_70] : memref<51200x128xf32, #tpu.memory_space<hbm>> -> memref<51200x128xf32, #tpu.memory_space<hbm>>
    tpu.enqueue_indirect_dma source(%dma_start3A_71 : memref<51200x128xf32, #tpu.memory_space<hbm>>) target(%dma_start3A_65 : memref<80x128xf32, #tpu.memory_space<vmem>>) offsets(%dma_start3A_68 : memref<80xi32, #tpu.memory_space<vmem>>) semaphore(%arg7 : memref<!tpu.dma_semaphore, #tpu.memory_space<semaphore_mem>>)
    %dma_start3A_72 = arith.constant 7 : i32
    %dma_start3A_73 = arith.constant 560 : i32
    %dma_start3A_74 = arith.constant 0 : i32
    %dma_start3A_75 = tpu.memref_slice %arg6[%dma_start3A_73, %dma_start3A_74] : memref<800x128xf32, #tpu.memory_space<vmem>> -> memref<80x128xf32, #tpu.memory_space<vmem>>
    %dma_start3A_76 = arith.constant 0 : i32
    %dma_start3A_77 = tpu.memref_slice %arg5[%dma_start3A_72, %dma_start3A_76] : memref<20x80xi32, #tpu.memory_space<vmem>> -> memref<1x80xi32, #tpu.memory_space<vmem>>
    %dma_start3A_78 = tpu.memref_squeeze %dma_start3A_77 : memref<1x80xi32, #tpu.memory_space<vmem>> -> memref<80xi32, #tpu.memory_space<vmem>>
    %dma_start3A_79 = arith.constant 0 : i32
    %dma_start3A_80 = arith.constant 0 : i32
    %dma_start3A_81 = tpu.memref_slice %arg2[%dma_start3A_79, %dma_start3A_80] : memref<51200x128xf32, #tpu.memory_space<hbm>> -> memref<51200x128xf32, #tpu.memory_space<hbm>>
    tpu.enqueue_indirect_dma source(%dma_start3A_81 : memref<51200x128xf32, #tpu.memory_space<hbm>>) target(%dma_start3A_75 : memref<80x128xf32, #tpu.memory_space<vmem>>) offsets(%dma_start3A_78 : memref<80xi32, #tpu.memory_space<vmem>>) semaphore(%arg7 : memref<!tpu.dma_semaphore, #tpu.memory_space<semaphore_mem>>)
    %dma_start3A_82 = arith.constant 8 : i32
    %dma_start3A_83 = arith.constant 640 : i32
    %dma_start3A_84 = arith.constant 0 : i32
    %dma_start3A_85 = tpu.memref_slice %arg6[%dma_start3A_83, %dma_start3A_84] : memref<800x128xf32, #tpu.memory_space<vmem>> -> memref<80x128xf32, #tpu.memory_space<vmem>>
    %dma_start3A_86 = arith.constant 0 : i32
    %dma_start3A_87 = tpu.memref_slice %arg5[%dma_start3A_82, %dma_start3A_86] : memref<20x80xi32, #tpu.memory_space<vmem>> -> memref<1x80xi32, #tpu.memory_space<vmem>>
    %dma_start3A_88 = tpu.memref_squeeze %dma_start3A_87 : memref<1x80xi32, #tpu.memory_space<vmem>> -> memref<80xi32, #tpu.memory_space<vmem>>
    %dma_start3A_89 = arith.constant 0 : i32
    %dma_start3A_90 = arith.constant 0 : i32
    %dma_start3A_91 = tpu.memref_slice %arg2[%dma_start3A_89, %dma_start3A_90] : memref<51200x128xf32, #tpu.memory_space<hbm>> -> memref<51200x128xf32, #tpu.memory_space<hbm>>
    tpu.enqueue_indirect_dma source(%dma_start3A_91 : memref<51200x128xf32, #tpu.memory_space<hbm>>) target(%dma_start3A_85 : memref<80x128xf32, #tpu.memory_space<vmem>>) offsets(%dma_start3A_88 : memref<80xi32, #tpu.memory_space<vmem>>) semaphore(%arg7 : memref<!tpu.dma_semaphore, #tpu.memory_space<semaphore_mem>>)
    %dma_start3A_92 = arith.constant 9 : i32
    %dma_start3A_93 = arith.constant 720 : i32
    %dma_start3A_94 = arith.constant 0 : i32
    %dma_start3A_95 = tpu.memref_slice %arg6[%dma_start3A_93, %dma_start3A_94] : memref<800x128xf32, #tpu.memory_space<vmem>> -> memref<80x128xf32, #tpu.memory_space<vmem>>
    %dma_start3A_96 = arith.constant 0 : i32
    %dma_start3A_97 = tpu.memref_slice %arg5[%dma_start3A_92, %dma_start3A_96] : memref<20x80xi32, #tpu.memory_space<vmem>> -> memref<1x80xi32, #tpu.memory_space<vmem>>
    %dma_start3A_98 = tpu.memref_squeeze %dma_start3A_97 : memref<1x80xi32, #tpu.memory_space<vmem>> -> memref<80xi32, #tpu.memory_space<vmem>>
    %dma_start3A_99 = arith.constant 0 : i32
    %dma_start3A_100 = arith.constant 0 : i32
    %dma_start3A_101 = tpu.memref_slice %arg2[%dma_start3A_99, %dma_start3A_100] : memref<51200x128xf32, #tpu.memory_space<hbm>> -> memref<51200x128xf32, #tpu.memory_space<hbm>>
    tpu.enqueue_indirect_dma source(%dma_start3A_101 : memref<51200x128xf32, #tpu.memory_space<hbm>>) target(%dma_start3A_95 : memref<80x128xf32, #tpu.memory_space<vmem>>) offsets(%dma_start3A_98 : memref<80xi32, #tpu.memory_space<vmem>>) semaphore(%arg7 : memref<!tpu.dma_semaphore, #tpu.memory_space<semaphore_mem>>)
    %dma_wait3A = arith.constant 0 : i32
    %dma_wait3A_102 = arith.constant 0 : i32
    %dma_wait3A_103 = arith.constant 0 : i32
    %dma_wait3A_104 = tpu.memref_slice %arg6[%dma_wait3A_102, %dma_wait3A_103] : memref<800x128xf32, #tpu.memory_space<vmem>> -> memref<80x128xf32, #tpu.memory_space<vmem>>
    %dma_wait3A_105 = arith.constant 0 : i32
    %dma_wait3A_106 = tpu.memref_slice %arg5[%dma_wait3A, %dma_wait3A_105] : memref<20x80xi32, #tpu.memory_space<vmem>> -> memref<1x80xi32, #tpu.memory_space<vmem>>
    %dma_wait3A_107 = tpu.memref_squeeze %dma_wait3A_106 : memref<1x80xi32, #tpu.memory_space<vmem>> -> memref<80xi32, #tpu.memory_space<vmem>>
    %dma_wait3A_108 = arith.constant 0 : i32
    %dma_wait3A_109 = arith.constant 0 : i32
    %dma_wait3A_110 = tpu.memref_slice %arg2[%dma_wait3A_108, %dma_wait3A_109] : memref<51200x128xf32, #tpu.memory_space<hbm>> -> memref<51200x128xf32, #tpu.memory_space<hbm>>
    tpu.wait_indirect_dma semaphore(%arg7 : memref<!tpu.dma_semaphore, #tpu.memory_space<semaphore_mem>>) src(%dma_wait3A_110 : memref<51200x128xf32, #tpu.memory_space<hbm>>) dst(%dma_wait3A_104 : memref<80x128xf32, #tpu.memory_space<vmem>>)
    %dma_wait3A_111 = arith.constant 1 : i32
    %dma_wait3A_112 = arith.constant 80 : i32
    %dma_wait3A_113 = arith.constant 0 : i32
    %dma_wait3A_114 = tpu.memref_slice %arg6[%dma_wait3A_112, %dma_wait3A_113] : memref<800x128xf32, #tpu.memory_space<vmem>> -> memref<80x128xf32, #tpu.memory_space<vmem>>
    %dma_wait3A_115 = arith.constant 0 : i32
    %dma_wait3A_116 = tpu.memref_slice %arg5[%dma_wait3A_111, %dma_wait3A_115] : memref<20x80xi32, #tpu.memory_space<vmem>> -> memref<1x80xi32, #tpu.memory_space<vmem>>
    %dma_wait3A_117 = tpu.memref_squeeze %dma_wait3A_116 : memref<1x80xi32, #tpu.memory_space<vmem>> -> memref<80xi32, #tpu.memory_space<vmem>>
    %dma_wait3A_118 = arith.constant 0 : i32
    %dma_wait3A_119 = arith.constant 0 : i32
    %dma_wait3A_120 = tpu.memref_slice %arg2[%dma_wait3A_118, %dma_wait3A_119] : memref<51200x128xf32, #tpu.memory_space<hbm>> -> memref<51200x128xf32, #tpu.memory_space<hbm>>
    tpu.wait_indirect_dma semaphore(%arg7 : memref<!tpu.dma_semaphore, #tpu.memory_space<semaphore_mem>>) src(%dma_wait3A_120 : memref<51200x128xf32, #tpu.memory_space<hbm>>) dst(%dma_wait3A_114 : memref<80x128xf32, #tpu.memory_space<vmem>>)
    %dma_wait3A_121 = arith.constant 2 : i32
    %dma_wait3A_122 = arith.constant 160 : i32
    %dma_wait3A_123 = arith.constant 0 : i32
    %dma_wait3A_124 = tpu.memref_slice %arg6[%dma_wait3A_122, %dma_wait3A_123] : memref<800x128xf32, #tpu.memory_space<vmem>> -> memref<80x128xf32, #tpu.memory_space<vmem>>
    %dma_wait3A_125 = arith.constant 0 : i32
    %dma_wait3A_126 = tpu.memref_slice %arg5[%dma_wait3A_121, %dma_wait3A_125] : memref<20x80xi32, #tpu.memory_space<vmem>> -> memref<1x80xi32, #tpu.memory_space<vmem>>
    %dma_wait3A_127 = tpu.memref_squeeze %dma_wait3A_126 : memref<1x80xi32, #tpu.memory_space<vmem>> -> memref<80xi32, #tpu.memory_space<vmem>>
    %dma_wait3A_128 = arith.constant 0 : i32
    %dma_wait3A_129 = arith.constant 0 : i32
    %dma_wait3A_130 = tpu.memref_slice %arg2[%dma_wait3A_128, %dma_wait3A_129] : memref<51200x128xf32, #tpu.memory_space<hbm>> -> memref<51200x128xf32, #tpu.memory_space<hbm>>
    tpu.wait_indirect_dma semaphore(%arg7 : memref<!tpu.dma_semaphore, #tpu.memory_space<semaphore_mem>>) src(%dma_wait3A_130 : memref<51200x128xf32, #tpu.memory_space<hbm>>) dst(%dma_wait3A_124 : memref<80x128xf32, #tpu.memory_space<vmem>>)
    %dma_wait3A_131 = arith.constant 3 : i32
    %dma_wait3A_132 = arith.constant 240 : i32
    %dma_wait3A_133 = arith.constant 0 : i32
    %dma_wait3A_134 = tpu.memref_slice %arg6[%dma_wait3A_132, %dma_wait3A_133] : memref<800x128xf32, #tpu.memory_space<vmem>> -> memref<80x128xf32, #tpu.memory_space<vmem>>
    %dma_wait3A_135 = arith.constant 0 : i32
    %dma_wait3A_136 = tpu.memref_slice %arg5[%dma_wait3A_131, %dma_wait3A_135] : memref<20x80xi32, #tpu.memory_space<vmem>> -> memref<1x80xi32, #tpu.memory_space<vmem>>
    %dma_wait3A_137 = tpu.memref_squeeze %dma_wait3A_136 : memref<1x80xi32, #tpu.memory_space<vmem>> -> memref<80xi32, #tpu.memory_space<vmem>>
    %dma_wait3A_138 = arith.constant 0 : i32
    %dma_wait3A_139 = arith.constant 0 : i32
    %dma_wait3A_140 = tpu.memref_slice %arg2[%dma_wait3A_138, %dma_wait3A_139] : memref<51200x128xf32, #tpu.memory_space<hbm>> -> memref<51200x128xf32, #tpu.memory_space<hbm>>
    tpu.wait_indirect_dma semaphore(%arg7 : memref<!tpu.dma_semaphore, #tpu.memory_space<semaphore_mem>>) src(%dma_wait3A_140 : memref<51200x128xf32, #tpu.memory_space<hbm>>) dst(%dma_wait3A_134 : memref<80x128xf32, #tpu.memory_space<vmem>>)
    %dma_wait3A_141 = arith.constant 4 : i32
    %dma_wait3A_142 = arith.constant 320 : i32
    %dma_wait3A_143 = arith.constant 0 : i32
    %dma_wait3A_144 = tpu.memref_slice %arg6[%dma_wait3A_142, %dma_wait3A_143] : memref<800x128xf32, #tpu.memory_space<vmem>> -> memref<80x128xf32, #tpu.memory_space<vmem>>
    %dma_wait3A_145 = arith.constant 0 : i32
    %dma_wait3A_146 = tpu.memref_slice %arg5[%dma_wait3A_141, %dma_wait3A_145] : memref<20x80xi32, #tpu.memory_space<vmem>> -> memref<1x80xi32, #tpu.memory_space<vmem>>
    %dma_wait3A_147 = tpu.memref_squeeze %dma_wait3A_146 : memref<1x80xi32, #tpu.memory_space<vmem>> -> memref<80xi32, #tpu.memory_space<vmem>>
    %dma_wait3A_148 = arith.constant 0 : i32
    %dma_wait3A_149 = arith.constant 0 : i32
    %dma_wait3A_150 = tpu.memref_slice %arg2[%dma_wait3A_148, %dma_wait3A_149] : memref<51200x128xf32, #tpu.memory_space<hbm>> -> memref<51200x128xf32, #tpu.memory_space<hbm>>
    tpu.wait_indirect_dma semaphore(%arg7 : memref<!tpu.dma_semaphore, #tpu.memory_space<semaphore_mem>>) src(%dma_wait3A_150 : memref<51200x128xf32, #tpu.memory_space<hbm>>) dst(%dma_wait3A_144 : memref<80x128xf32, #tpu.memory_space<vmem>>)
    %dma_wait3A_151 = arith.constant 5 : i32
    %dma_wait3A_152 = arith.constant 400 : i32
    %dma_wait3A_153 = arith.constant 0 : i32
    %dma_wait3A_154 = tpu.memref_slice %arg6[%dma_wait3A_152, %dma_wait3A_153] : memref<800x128xf32, #tpu.memory_space<vmem>> -> memref<80x128xf32, #tpu.memory_space<vmem>>
    %dma_wait3A_155 = arith.constant 0 : i32
    %dma_wait3A_156 = tpu.memref_slice %arg5[%dma_wait3A_151, %dma_wait3A_155] : memref<20x80xi32, #tpu.memory_space<vmem>> -> memref<1x80xi32, #tpu.memory_space<vmem>>
    %dma_wait3A_157 = tpu.memref_squeeze %dma_wait3A_156 : memref<1x80xi32, #tpu.memory_space<vmem>> -> memref<80xi32, #tpu.memory_space<vmem>>
    %dma_wait3A_158 = arith.constant 0 : i32
    %dma_wait3A_159 = arith.constant 0 : i32
    %dma_wait3A_160 = tpu.memref_slice %arg2[%dma_wait3A_158, %dma_wait3A_159] : memref<51200x128xf32, #tpu.memory_space<hbm>> -> memref<51200x128xf32, #tpu.memory_space<hbm>>
    tpu.wait_indirect_dma semaphore(%arg7 : memref<!tpu.dma_semaphore, #tpu.memory_space<semaphore_mem>>) src(%dma_wait3A_160 : memref<51200x128xf32, #tpu.memory_space<hbm>>) dst(%dma_wait3A_154 : memref<80x128xf32, #tpu.memory_space<vmem>>)
    %dma_wait3A_161 = arith.constant 6 : i32
    %dma_wait3A_162 = arith.constant 480 : i32
    %dma_wait3A_163 = arith.constant 0 : i32
    %dma_wait3A_164 = tpu.memref_slice %arg6[%dma_wait3A_162, %dma_wait3A_163] : memref<800x128xf32, #tpu.memory_space<vmem>> -> memref<80x128xf32, #tpu.memory_space<vmem>>
    %dma_wait3A_165 = arith.constant 0 : i32
    %dma_wait3A_166 = tpu.memref_slice %arg5[%dma_wait3A_161, %dma_wait3A_165] : memref<20x80xi32, #tpu.memory_space<vmem>> -> memref<1x80xi32, #tpu.memory_space<vmem>>
    %dma_wait3A_167 = tpu.memref_squeeze %dma_wait3A_166 : memref<1x80xi32, #tpu.memory_space<vmem>> -> memref<80xi32, #tpu.memory_space<vmem>>
    %dma_wait3A_168 = arith.constant 0 : i32
    %dma_wait3A_169 = arith.constant 0 : i32
    %dma_wait3A_170 = tpu.memref_slice %arg2[%dma_wait3A_168, %dma_wait3A_169] : memref<51200x128xf32, #tpu.memory_space<hbm>> -> memref<51200x128xf32, #tpu.memory_space<hbm>>
    tpu.wait_indirect_dma semaphore(%arg7 : memref<!tpu.dma_semaphore, #tpu.memory_space<semaphore_mem>>) src(%dma_wait3A_170 : memref<51200x128xf32, #tpu.memory_space<hbm>>) dst(%dma_wait3A_164 : memref<80x128xf32, #tpu.memory_space<vmem>>)
    %dma_wait3A_171 = arith.constant 7 : i32
    %dma_wait3A_172 = arith.constant 560 : i32
    %dma_wait3A_173 = arith.constant 0 : i32
    %dma_wait3A_174 = tpu.memref_slice %arg6[%dma_wait3A_172, %dma_wait3A_173] : memref<800x128xf32, #tpu.memory_space<vmem>> -> memref<80x128xf32, #tpu.memory_space<vmem>>
    %dma_wait3A_175 = arith.constant 0 : i32
    %dma_wait3A_176 = tpu.memref_slice %arg5[%dma_wait3A_171, %dma_wait3A_175] : memref<20x80xi32, #tpu.memory_space<vmem>> -> memref<1x80xi32, #tpu.memory_space<vmem>>
    %dma_wait3A_177 = tpu.memref_squeeze %dma_wait3A_176 : memref<1x80xi32, #tpu.memory_space<vmem>> -> memref<80xi32, #tpu.memory_space<vmem>>
    %dma_wait3A_178 = arith.constant 0 : i32
    %dma_wait3A_179 = arith.constant 0 : i32
    %dma_wait3A_180 = tpu.memref_slice %arg2[%dma_wait3A_178, %dma_wait3A_179] : memref<51200x128xf32, #tpu.memory_space<hbm>> -> memref<51200x128xf32, #tpu.memory_space<hbm>>
    tpu.wait_indirect_dma semaphore(%arg7 : memref<!tpu.dma_semaphore, #tpu.memory_space<semaphore_mem>>) src(%dma_wait3A_180 : memref<51200x128xf32, #tpu.memory_space<hbm>>) dst(%dma_wait3A_174 : memref<80x128xf32, #tpu.memory_space<vmem>>)
    %dma_wait3A_181 = arith.constant 8 : i32
    %dma_wait3A_182 = arith.constant 640 : i32
    %dma_wait3A_183 = arith.constant 0 : i32
    %dma_wait3A_184 = tpu.memref_slice %arg6[%dma_wait3A_182, %dma_wait3A_183] : memref<800x128xf32, #tpu.memory_space<vmem>> -> memref<80x128xf32, #tpu.memory_space<vmem>>
    %dma_wait3A_185 = arith.constant 0 : i32
    %dma_wait3A_186 = tpu.memref_slice %arg5[%dma_wait3A_181, %dma_wait3A_185] : memref<20x80xi32, #tpu.memory_space<vmem>> -> memref<1x80xi32, #tpu.memory_space<vmem>>
    %dma_wait3A_187 = tpu.memref_squeeze %dma_wait3A_186 : memref<1x80xi32, #tpu.memory_space<vmem>> -> memref<80xi32, #tpu.memory_space<vmem>>
    %dma_wait3A_188 = arith.constant 0 : i32
    %dma_wait3A_189 = arith.constant 0 : i32
    %dma_wait3A_190 = tpu.memref_slice %arg2[%dma_wait3A_188, %dma_wait3A_189] : memref<51200x128xf32, #tpu.memory_space<hbm>> -> memref<51200x128xf32, #tpu.memory_space<hbm>>
    tpu.wait_indirect_dma semaphore(%arg7 : memref<!tpu.dma_semaphore, #tpu.memory_space<semaphore_mem>>) src(%dma_wait3A_190 : memref<51200x128xf32, #tpu.memory_space<hbm>>) dst(%dma_wait3A_184 : memref<80x128xf32, #tpu.memory_space<vmem>>)
    %dma_wait3A_191 = arith.constant 9 : i32
    %dma_wait3A_192 = arith.constant 720 : i32
    %dma_wait3A_193 = arith.constant 0 : i32
    %dma_wait3A_194 = tpu.memref_slice %arg6[%dma_wait3A_192, %dma_wait3A_193] : memref<800x128xf32, #tpu.memory_space<vmem>> -> memref<80x128xf32, #tpu.memory_space<vmem>>
    %dma_wait3A_195 = arith.constant 0 : i32
    %dma_wait3A_196 = tpu.memref_slice %arg5[%dma_wait3A_191, %dma_wait3A_195] : memref<20x80xi32, #tpu.memory_space<vmem>> -> memref<1x80xi32, #tpu.memory_space<vmem>>
    %dma_wait3A_197 = tpu.memref_squeeze %dma_wait3A_196 : memref<1x80xi32, #tpu.memory_space<vmem>> -> memref<80xi32, #tpu.memory_space<vmem>>
    %dma_wait3A_198 = arith.constant 0 : i32
    %dma_wait3A_199 = arith.constant 0 : i32
    %dma_wait3A_200 = tpu.memref_slice %arg2[%dma_wait3A_198, %dma_wait3A_199] : memref<51200x128xf32, #tpu.memory_space<hbm>> -> memref<51200x128xf32, #tpu.memory_space<hbm>>
    tpu.wait_indirect_dma semaphore(%arg7 : memref<!tpu.dma_semaphore, #tpu.memory_space<semaphore_mem>>) src(%dma_wait3A_200 : memref<51200x128xf32, #tpu.memory_space<hbm>>) dst(%dma_wait3A_194 : memref<80x128xf32, #tpu.memory_space<vmem>>)
    %add3A_201 = arith.constant 0 : i32
    %add3A_202 = arith.addi %mul3A_2, %add3A_201 : i32
    "tpu.region"() ({
      %run_scoped3A = tpu.sem_alloc : memref<!tpu.dma_semaphore, #tpu.memory_space<semaphore_mem>>
      %dma_start3A_405 = arith.constant 0 : i32
      %dma_start3A_406 = tpu.memref_slice %arg4[%add3A_202, %dma_start3A_405] : memref<51200x128xf32, #tpu.memory_space<hbm>> -> memref<800x128xf32, #tpu.memory_space<hbm>>
      %dma_start3A_407 = arith.constant 0 : i32
      %dma_start3A_408 = tpu.memref_slice %arg4[%add3A_202, %dma_start3A_407] : memref<51200x128xf32, #tpu.memory_space<hbm>> -> memref<800x128xf32, #tpu.memory_space<hbm>>
      tpu.enqueue_dma source(%arg6 : memref<800x128xf32, #tpu.memory_space<vmem>>) target(%dma_start3A_408 : memref<800x128xf32, #tpu.memory_space<hbm>>) target_semaphore(%run_scoped3A : memref<!tpu.dma_semaphore, #tpu.memory_space<semaphore_mem>>)
      %dma_wait3A_409 = arith.constant 0 : i32
      %dma_wait3A_410 = tpu.memref_slice %arg4[%add3A_202, %dma_wait3A_409] : memref<51200x128xf32, #tpu.memory_space<hbm>> -> memref<800x128xf32, #tpu.memory_space<hbm>>
      %dma_wait3A_411 = arith.constant 0 : i32
      %dma_wait3A_412 = tpu.memref_slice %arg4[%add3A_202, %dma_wait3A_411] : memref<51200x128xf32, #tpu.memory_space<hbm>> -> memref<800x128xf32, #tpu.memory_space<hbm>>
      tpu.wait_dma2 semaphore(%run_scoped3A : memref<!tpu.dma_semaphore, #tpu.memory_space<semaphore_mem>>) src(%arg6 : memref<800x128xf32, #tpu.memory_space<vmem>>) dst(%dma_wait3A_412 : memref<800x128xf32, #tpu.memory_space<hbm>>)
      tpu.yield
    }) : () -> ()
    %dma_start3A_203 = arith.constant 10 : i32
    %dma_start3A_204 = arith.constant 0 : i32
    %dma_start3A_205 = arith.constant 0 : i32
    %dma_start3A_206 = tpu.memref_slice %arg6[%dma_start3A_204, %dma_start3A_205] : memref<800x128xf32, #tpu.memory_space<vmem>> -> memref<80x128xf32, #tpu.memory_space<vmem>>
    %dma_start3A_207 = arith.constant 0 : i32
    %dma_start3A_208 = tpu.memref_slice %arg5[%dma_start3A_203, %dma_start3A_207] : memref<20x80xi32, #tpu.memory_space<vmem>> -> memref<1x80xi32, #tpu.memory_space<vmem>>
    %dma_start3A_209 = tpu.memref_squeeze %dma_start3A_208 : memref<1x80xi32, #tpu.memory_space<vmem>> -> memref<80xi32, #tpu.memory_space<vmem>>
    %dma_start3A_210 = arith.constant 0 : i32
    %dma_start3A_211 = arith.constant 0 : i32
    %dma_start3A_212 = tpu.memref_slice %arg2[%dma_start3A_210, %dma_start3A_211] : memref<51200x128xf32, #tpu.memory_space<hbm>> -> memref<51200x128xf32, #tpu.memory_space<hbm>>
    tpu.enqueue_indirect_dma source(%dma_start3A_212 : memref<51200x128xf32, #tpu.memory_space<hbm>>) target(%dma_start3A_206 : memref<80x128xf32, #tpu.memory_space<vmem>>) offsets(%dma_start3A_209 : memref<80xi32, #tpu.memory_space<vmem>>) semaphore(%arg7 : memref<!tpu.dma_semaphore, #tpu.memory_space<semaphore_mem>>)
    %dma_start3A_213 = arith.constant 11 : i32
    %dma_start3A_214 = arith.constant 80 : i32
    %dma_start3A_215 = arith.constant 0 : i32
    %dma_start3A_216 = tpu.memref_slice %arg6[%dma_start3A_214, %dma_start3A_215] : memref<800x128xf32, #tpu.memory_space<vmem>> -> memref<80x128xf32, #tpu.memory_space<vmem>>
    %dma_start3A_217 = arith.constant 0 : i32
    %dma_start3A_218 = tpu.memref_slice %arg5[%dma_start3A_213, %dma_start3A_217] : memref<20x80xi32, #tpu.memory_space<vmem>> -> memref<1x80xi32, #tpu.memory_space<vmem>>
    %dma_start3A_219 = tpu.memref_squeeze %dma_start3A_218 : memref<1x80xi32, #tpu.memory_space<vmem>> -> memref<80xi32, #tpu.memory_space<vmem>>
    %dma_start3A_220 = arith.constant 0 : i32
    %dma_start3A_221 = arith.constant 0 : i32
    %dma_start3A_222 = tpu.memref_slice %arg2[%dma_start3A_220, %dma_start3A_221] : memref<51200x128xf32, #tpu.memory_space<hbm>> -> memref<51200x128xf32, #tpu.memory_space<hbm>>
    tpu.enqueue_indirect_dma source(%dma_start3A_222 : memref<51200x128xf32, #tpu.memory_space<hbm>>) target(%dma_start3A_216 : memref<80x128xf32, #tpu.memory_space<vmem>>) offsets(%dma_start3A_219 : memref<80xi32, #tpu.memory_space<vmem>>) semaphore(%arg7 : memref<!tpu.dma_semaphore, #tpu.memory_space<semaphore_mem>>)
    %dma_start3A_223 = arith.constant 12 : i32
    %dma_start3A_224 = arith.constant 160 : i32
    %dma_start3A_225 = arith.constant 0 : i32
    %dma_start3A_226 = tpu.memref_slice %arg6[%dma_start3A_224, %dma_start3A_225] : memref<800x128xf32, #tpu.memory_space<vmem>> -> memref<80x128xf32, #tpu.memory_space<vmem>>
    %dma_start3A_227 = arith.constant 0 : i32
    %dma_start3A_228 = tpu.memref_slice %arg5[%dma_start3A_223, %dma_start3A_227] : memref<20x80xi32, #tpu.memory_space<vmem>> -> memref<1x80xi32, #tpu.memory_space<vmem>>
    %dma_start3A_229 = tpu.memref_squeeze %dma_start3A_228 : memref<1x80xi32, #tpu.memory_space<vmem>> -> memref<80xi32, #tpu.memory_space<vmem>>
    %dma_start3A_230 = arith.constant 0 : i32
    %dma_start3A_231 = arith.constant 0 : i32
    %dma_start3A_232 = tpu.memref_slice %arg2[%dma_start3A_230, %dma_start3A_231] : memref<51200x128xf32, #tpu.memory_space<hbm>> -> memref<51200x128xf32, #tpu.memory_space<hbm>>
    tpu.enqueue_indirect_dma source(%dma_start3A_232 : memref<51200x128xf32, #tpu.memory_space<hbm>>) target(%dma_start3A_226 : memref<80x128xf32, #tpu.memory_space<vmem>>) offsets(%dma_start3A_229 : memref<80xi32, #tpu.memory_space<vmem>>) semaphore(%arg7 : memref<!tpu.dma_semaphore, #tpu.memory_space<semaphore_mem>>)
    %dma_start3A_233 = arith.constant 13 : i32
    %dma_start3A_234 = arith.constant 240 : i32
    %dma_start3A_235 = arith.constant 0 : i32
    %dma_start3A_236 = tpu.memref_slice %arg6[%dma_start3A_234, %dma_start3A_235] : memref<800x128xf32, #tpu.memory_space<vmem>> -> memref<80x128xf32, #tpu.memory_space<vmem>>
    %dma_start3A_237 = arith.constant 0 : i32
    %dma_start3A_238 = tpu.memref_slice %arg5[%dma_start3A_233, %dma_start3A_237] : memref<20x80xi32, #tpu.memory_space<vmem>> -> memref<1x80xi32, #tpu.memory_space<vmem>>
    %dma_start3A_239 = tpu.memref_squeeze %dma_start3A_238 : memref<1x80xi32, #tpu.memory_space<vmem>> -> memref<80xi32, #tpu.memory_space<vmem>>
    %dma_start3A_240 = arith.constant 0 : i32
    %dma_start3A_241 = arith.constant 0 : i32
    %dma_start3A_242 = tpu.memref_slice %arg2[%dma_start3A_240, %dma_start3A_241] : memref<51200x128xf32, #tpu.memory_space<hbm>> -> memref<51200x128xf32, #tpu.memory_space<hbm>>
    tpu.enqueue_indirect_dma source(%dma_start3A_242 : memref<51200x128xf32, #tpu.memory_space<hbm>>) target(%dma_start3A_236 : memref<80x128xf32, #tpu.memory_space<vmem>>) offsets(%dma_start3A_239 : memref<80xi32, #tpu.memory_space<vmem>>) semaphore(%arg7 : memref<!tpu.dma_semaphore, #tpu.memory_space<semaphore_mem>>)
    %dma_start3A_243 = arith.constant 14 : i32
    %dma_start3A_244 = arith.constant 320 : i32
    %dma_start3A_245 = arith.constant 0 : i32
    %dma_start3A_246 = tpu.memref_slice %arg6[%dma_start3A_244, %dma_start3A_245] : memref<800x128xf32, #tpu.memory_space<vmem>> -> memref<80x128xf32, #tpu.memory_space<vmem>>
    %dma_start3A_247 = arith.constant 0 : i32
    %dma_start3A_248 = tpu.memref_slice %arg5[%dma_start3A_243, %dma_start3A_247] : memref<20x80xi32, #tpu.memory_space<vmem>> -> memref<1x80xi32, #tpu.memory_space<vmem>>
    %dma_start3A_249 = tpu.memref_squeeze %dma_start3A_248 : memref<1x80xi32, #tpu.memory_space<vmem>> -> memref<80xi32, #tpu.memory_space<vmem>>
    %dma_start3A_250 = arith.constant 0 : i32
    %dma_start3A_251 = arith.constant 0 : i32
    %dma_start3A_252 = tpu.memref_slice %arg2[%dma_start3A_250, %dma_start3A_251] : memref<51200x128xf32, #tpu.memory_space<hbm>> -> memref<51200x128xf32, #tpu.memory_space<hbm>>
    tpu.enqueue_indirect_dma source(%dma_start3A_252 : memref<51200x128xf32, #tpu.memory_space<hbm>>) target(%dma_start3A_246 : memref<80x128xf32, #tpu.memory_space<vmem>>) offsets(%dma_start3A_249 : memref<80xi32, #tpu.memory_space<vmem>>) semaphore(%arg7 : memref<!tpu.dma_semaphore, #tpu.memory_space<semaphore_mem>>)
    %dma_start3A_253 = arith.constant 15 : i32
    %dma_start3A_254 = arith.constant 400 : i32
    %dma_start3A_255 = arith.constant 0 : i32
    %dma_start3A_256 = tpu.memref_slice %arg6[%dma_start3A_254, %dma_start3A_255] : memref<800x128xf32, #tpu.memory_space<vmem>> -> memref<80x128xf32, #tpu.memory_space<vmem>>
    %dma_start3A_257 = arith.constant 0 : i32
    %dma_start3A_258 = tpu.memref_slice %arg5[%dma_start3A_253, %dma_start3A_257] : memref<20x80xi32, #tpu.memory_space<vmem>> -> memref<1x80xi32, #tpu.memory_space<vmem>>
    %dma_start3A_259 = tpu.memref_squeeze %dma_start3A_258 : memref<1x80xi32, #tpu.memory_space<vmem>> -> memref<80xi32, #tpu.memory_space<vmem>>
    %dma_start3A_260 = arith.constant 0 : i32
    %dma_start3A_261 = arith.constant 0 : i32
    %dma_start3A_262 = tpu.memref_slice %arg2[%dma_start3A_260, %dma_start3A_261] : memref<51200x128xf32, #tpu.memory_space<hbm>> -> memref<51200x128xf32, #tpu.memory_space<hbm>>
    tpu.enqueue_indirect_dma source(%dma_start3A_262 : memref<51200x128xf32, #tpu.memory_space<hbm>>) target(%dma_start3A_256 : memref<80x128xf32, #tpu.memory_space<vmem>>) offsets(%dma_start3A_259 : memref<80xi32, #tpu.memory_space<vmem>>) semaphore(%arg7 : memref<!tpu.dma_semaphore, #tpu.memory_space<semaphore_mem>>)
    %dma_start3A_263 = arith.constant 16 : i32
    %dma_start3A_264 = arith.constant 480 : i32
    %dma_start3A_265 = arith.constant 0 : i32
    %dma_start3A_266 = tpu.memref_slice %arg6[%dma_start3A_264, %dma_start3A_265] : memref<800x128xf32, #tpu.memory_space<vmem>> -> memref<80x128xf32, #tpu.memory_space<vmem>>
    %dma_start3A_267 = arith.constant 0 : i32
    %dma_start3A_268 = tpu.memref_slice %arg5[%dma_start3A_263, %dma_start3A_267] : memref<20x80xi32, #tpu.memory_space<vmem>> -> memref<1x80xi32, #tpu.memory_space<vmem>>
    %dma_start3A_269 = tpu.memref_squeeze %dma_start3A_268 : memref<1x80xi32, #tpu.memory_space<vmem>> -> memref<80xi32, #tpu.memory_space<vmem>>
    %dma_start3A_270 = arith.constant 0 : i32
    %dma_start3A_271 = arith.constant 0 : i32
    %dma_start3A_272 = tpu.memref_slice %arg2[%dma_start3A_270, %dma_start3A_271] : memref<51200x128xf32, #tpu.memory_space<hbm>> -> memref<51200x128xf32, #tpu.memory_space<hbm>>
    tpu.enqueue_indirect_dma source(%dma_start3A_272 : memref<51200x128xf32, #tpu.memory_space<hbm>>) target(%dma_start3A_266 : memref<80x128xf32, #tpu.memory_space<vmem>>) offsets(%dma_start3A_269 : memref<80xi32, #tpu.memory_space<vmem>>) semaphore(%arg7 : memref<!tpu.dma_semaphore, #tpu.memory_space<semaphore_mem>>)
    %dma_start3A_273 = arith.constant 17 : i32
    %dma_start3A_274 = arith.constant 560 : i32
    %dma_start3A_275 = arith.constant 0 : i32
    %dma_start3A_276 = tpu.memref_slice %arg6[%dma_start3A_274, %dma_start3A_275] : memref<800x128xf32, #tpu.memory_space<vmem>> -> memref<80x128xf32, #tpu.memory_space<vmem>>
    %dma_start3A_277 = arith.constant 0 : i32
    %dma_start3A_278 = tpu.memref_slice %arg5[%dma_start3A_273, %dma_start3A_277] : memref<20x80xi32, #tpu.memory_space<vmem>> -> memref<1x80xi32, #tpu.memory_space<vmem>>
    %dma_start3A_279 = tpu.memref_squeeze %dma_start3A_278 : memref<1x80xi32, #tpu.memory_space<vmem>> -> memref<80xi32, #tpu.memory_space<vmem>>
    %dma_start3A_280 = arith.constant 0 : i32
    %dma_start3A_281 = arith.constant 0 : i32
    %dma_start3A_282 = tpu.memref_slice %arg2[%dma_start3A_280, %dma_start3A_281] : memref<51200x128xf32, #tpu.memory_space<hbm>> -> memref<51200x128xf32, #tpu.memory_space<hbm>>
    tpu.enqueue_indirect_dma source(%dma_start3A_282 : memref<51200x128xf32, #tpu.memory_space<hbm>>) target(%dma_start3A_276 : memref<80x128xf32, #tpu.memory_space<vmem>>) offsets(%dma_start3A_279 : memref<80xi32, #tpu.memory_space<vmem>>) semaphore(%arg7 : memref<!tpu.dma_semaphore, #tpu.memory_space<semaphore_mem>>)
    %dma_start3A_283 = arith.constant 18 : i32
    %dma_start3A_284 = arith.constant 640 : i32
    %dma_start3A_285 = arith.constant 0 : i32
    %dma_start3A_286 = tpu.memref_slice %arg6[%dma_start3A_284, %dma_start3A_285] : memref<800x128xf32, #tpu.memory_space<vmem>> -> memref<80x128xf32, #tpu.memory_space<vmem>>
    %dma_start3A_287 = arith.constant 0 : i32
    %dma_start3A_288 = tpu.memref_slice %arg5[%dma_start3A_283, %dma_start3A_287] : memref<20x80xi32, #tpu.memory_space<vmem>> -> memref<1x80xi32, #tpu.memory_space<vmem>>
    %dma_start3A_289 = tpu.memref_squeeze %dma_start3A_288 : memref<1x80xi32, #tpu.memory_space<vmem>> -> memref<80xi32, #tpu.memory_space<vmem>>
    %dma_start3A_290 = arith.constant 0 : i32
    %dma_start3A_291 = arith.constant 0 : i32
    %dma_start3A_292 = tpu.memref_slice %arg2[%dma_start3A_290, %dma_start3A_291] : memref<51200x128xf32, #tpu.memory_space<hbm>> -> memref<51200x128xf32, #tpu.memory_space<hbm>>
    tpu.enqueue_indirect_dma source(%dma_start3A_292 : memref<51200x128xf32, #tpu.memory_space<hbm>>) target(%dma_start3A_286 : memref<80x128xf32, #tpu.memory_space<vmem>>) offsets(%dma_start3A_289 : memref<80xi32, #tpu.memory_space<vmem>>) semaphore(%arg7 : memref<!tpu.dma_semaphore, #tpu.memory_space<semaphore_mem>>)
    %dma_start3A_293 = arith.constant 19 : i32
    %dma_start3A_294 = arith.constant 720 : i32
    %dma_start3A_295 = arith.constant 0 : i32
    %dma_start3A_296 = tpu.memref_slice %arg6[%dma_start3A_294, %dma_start3A_295] : memref<800x128xf32, #tpu.memory_space<vmem>> -> memref<80x128xf32, #tpu.memory_space<vmem>>
    %dma_start3A_297 = arith.constant 0 : i32
    %dma_start3A_298 = tpu.memref_slice %arg5[%dma_start3A_293, %dma_start3A_297] : memref<20x80xi32, #tpu.memory_space<vmem>> -> memref<1x80xi32, #tpu.memory_space<vmem>>
    %dma_start3A_299 = tpu.memref_squeeze %dma_start3A_298 : memref<1x80xi32, #tpu.memory_space<vmem>> -> memref<80xi32, #tpu.memory_space<vmem>>
    %dma_start3A_300 = arith.constant 0 : i32
    %dma_start3A_301 = arith.constant 0 : i32
    %dma_start3A_302 = tpu.memref_slice %arg2[%dma_start3A_300, %dma_start3A_301] : memref<51200x128xf32, #tpu.memory_space<hbm>> -> memref<51200x128xf32, #tpu.memory_space<hbm>>
    tpu.enqueue_indirect_dma source(%dma_start3A_302 : memref<51200x128xf32, #tpu.memory_space<hbm>>) target(%dma_start3A_296 : memref<80x128xf32, #tpu.memory_space<vmem>>) offsets(%dma_start3A_299 : memref<80xi32, #tpu.memory_space<vmem>>) semaphore(%arg7 : memref<!tpu.dma_semaphore, #tpu.memory_space<semaphore_mem>>)
    %dma_wait3A_303 = arith.constant 10 : i32
    %dma_wait3A_304 = arith.constant 0 : i32
    %dma_wait3A_305 = arith.constant 0 : i32
    %dma_wait3A_306 = tpu.memref_slice %arg6[%dma_wait3A_304, %dma_wait3A_305] : memref<800x128xf32, #tpu.memory_space<vmem>> -> memref<80x128xf32, #tpu.memory_space<vmem>>
    %dma_wait3A_307 = arith.constant 0 : i32
    %dma_wait3A_308 = tpu.memref_slice %arg5[%dma_wait3A_303, %dma_wait3A_307] : memref<20x80xi32, #tpu.memory_space<vmem>> -> memref<1x80xi32, #tpu.memory_space<vmem>>
    %dma_wait3A_309 = tpu.memref_squeeze %dma_wait3A_308 : memref<1x80xi32, #tpu.memory_space<vmem>> -> memref<80xi32, #tpu.memory_space<vmem>>
    %dma_wait3A_310 = arith.constant 0 : i32
    %dma_wait3A_311 = arith.constant 0 : i32
    %dma_wait3A_312 = tpu.memref_slice %arg2[%dma_wait3A_310, %dma_wait3A_311] : memref<51200x128xf32, #tpu.memory_space<hbm>> -> memref<51200x128xf32, #tpu.memory_space<hbm>>
    tpu.wait_indirect_dma semaphore(%arg7 : memref<!tpu.dma_semaphore, #tpu.memory_space<semaphore_mem>>) src(%dma_wait3A_312 : memref<51200x128xf32, #tpu.memory_space<hbm>>) dst(%dma_wait3A_306 : memref<80x128xf32, #tpu.memory_space<vmem>>)
    %dma_wait3A_313 = arith.constant 11 : i32
    %dma_wait3A_314 = arith.constant 80 : i32
    %dma_wait3A_315 = arith.constant 0 : i32
    %dma_wait3A_316 = tpu.memref_slice %arg6[%dma_wait3A_314, %dma_wait3A_315] : memref<800x128xf32, #tpu.memory_space<vmem>> -> memref<80x128xf32, #tpu.memory_space<vmem>>
    %dma_wait3A_317 = arith.constant 0 : i32
    %dma_wait3A_318 = tpu.memref_slice %arg5[%dma_wait3A_313, %dma_wait3A_317] : memref<20x80xi32, #tpu.memory_space<vmem>> -> memref<1x80xi32, #tpu.memory_space<vmem>>
    %dma_wait3A_319 = tpu.memref_squeeze %dma_wait3A_318 : memref<1x80xi32, #tpu.memory_space<vmem>> -> memref<80xi32, #tpu.memory_space<vmem>>
    %dma_wait3A_320 = arith.constant 0 : i32
    %dma_wait3A_321 = arith.constant 0 : i32
    %dma_wait3A_322 = tpu.memref_slice %arg2[%dma_wait3A_320, %dma_wait3A_321] : memref<51200x128xf32, #tpu.memory_space<hbm>> -> memref<51200x128xf32, #tpu.memory_space<hbm>>
    tpu.wait_indirect_dma semaphore(%arg7 : memref<!tpu.dma_semaphore, #tpu.memory_space<semaphore_mem>>) src(%dma_wait3A_322 : memref<51200x128xf32, #tpu.memory_space<hbm>>) dst(%dma_wait3A_316 : memref<80x128xf32, #tpu.memory_space<vmem>>)
    %dma_wait3A_323 = arith.constant 12 : i32
    %dma_wait3A_324 = arith.constant 160 : i32
    %dma_wait3A_325 = arith.constant 0 : i32
    %dma_wait3A_326 = tpu.memref_slice %arg6[%dma_wait3A_324, %dma_wait3A_325] : memref<800x128xf32, #tpu.memory_space<vmem>> -> memref<80x128xf32, #tpu.memory_space<vmem>>
    %dma_wait3A_327 = arith.constant 0 : i32
    %dma_wait3A_328 = tpu.memref_slice %arg5[%dma_wait3A_323, %dma_wait3A_327] : memref<20x80xi32, #tpu.memory_space<vmem>> -> memref<1x80xi32, #tpu.memory_space<vmem>>
    %dma_wait3A_329 = tpu.memref_squeeze %dma_wait3A_328 : memref<1x80xi32, #tpu.memory_space<vmem>> -> memref<80xi32, #tpu.memory_space<vmem>>
    %dma_wait3A_330 = arith.constant 0 : i32
    %dma_wait3A_331 = arith.constant 0 : i32
    %dma_wait3A_332 = tpu.memref_slice %arg2[%dma_wait3A_330, %dma_wait3A_331] : memref<51200x128xf32, #tpu.memory_space<hbm>> -> memref<51200x128xf32, #tpu.memory_space<hbm>>
    tpu.wait_indirect_dma semaphore(%arg7 : memref<!tpu.dma_semaphore, #tpu.memory_space<semaphore_mem>>) src(%dma_wait3A_332 : memref<51200x128xf32, #tpu.memory_space<hbm>>) dst(%dma_wait3A_326 : memref<80x128xf32, #tpu.memory_space<vmem>>)
    %dma_wait3A_333 = arith.constant 13 : i32
    %dma_wait3A_334 = arith.constant 240 : i32
    %dma_wait3A_335 = arith.constant 0 : i32
    %dma_wait3A_336 = tpu.memref_slice %arg6[%dma_wait3A_334, %dma_wait3A_335] : memref<800x128xf32, #tpu.memory_space<vmem>> -> memref<80x128xf32, #tpu.memory_space<vmem>>
    %dma_wait3A_337 = arith.constant 0 : i32
    %dma_wait3A_338 = tpu.memref_slice %arg5[%dma_wait3A_333, %dma_wait3A_337] : memref<20x80xi32, #tpu.memory_space<vmem>> -> memref<1x80xi32, #tpu.memory_space<vmem>>
    %dma_wait3A_339 = tpu.memref_squeeze %dma_wait3A_338 : memref<1x80xi32, #tpu.memory_space<vmem>> -> memref<80xi32, #tpu.memory_space<vmem>>
    %dma_wait3A_340 = arith.constant 0 : i32
    %dma_wait3A_341 = arith.constant 0 : i32
    %dma_wait3A_342 = tpu.memref_slice %arg2[%dma_wait3A_340, %dma_wait3A_341] : memref<51200x128xf32, #tpu.memory_space<hbm>> -> memref<51200x128xf32, #tpu.memory_space<hbm>>
    tpu.wait_indirect_dma semaphore(%arg7 : memref<!tpu.dma_semaphore, #tpu.memory_space<semaphore_mem>>) src(%dma_wait3A_342 : memref<51200x128xf32, #tpu.memory_space<hbm>>) dst(%dma_wait3A_336 : memref<80x128xf32, #tpu.memory_space<vmem>>)
    %dma_wait3A_343 = arith.constant 14 : i32
    %dma_wait3A_344 = arith.constant 320 : i32
    %dma_wait3A_345 = arith.constant 0 : i32
    %dma_wait3A_346 = tpu.memref_slice %arg6[%dma_wait3A_344, %dma_wait3A_345] : memref<800x128xf32, #tpu.memory_space<vmem>> -> memref<80x128xf32, #tpu.memory_space<vmem>>
    %dma_wait3A_347 = arith.constant 0 : i32
    %dma_wait3A_348 = tpu.memref_slice %arg5[%dma_wait3A_343, %dma_wait3A_347] : memref<20x80xi32, #tpu.memory_space<vmem>> -> memref<1x80xi32, #tpu.memory_space<vmem>>
    %dma_wait3A_349 = tpu.memref_squeeze %dma_wait3A_348 : memref<1x80xi32, #tpu.memory_space<vmem>> -> memref<80xi32, #tpu.memory_space<vmem>>
    %dma_wait3A_350 = arith.constant 0 : i32
    %dma_wait3A_351 = arith.constant 0 : i32
    %dma_wait3A_352 = tpu.memref_slice %arg2[%dma_wait3A_350, %dma_wait3A_351] : memref<51200x128xf32, #tpu.memory_space<hbm>> -> memref<51200x128xf32, #tpu.memory_space<hbm>>
    tpu.wait_indirect_dma semaphore(%arg7 : memref<!tpu.dma_semaphore, #tpu.memory_space<semaphore_mem>>) src(%dma_wait3A_352 : memref<51200x128xf32, #tpu.memory_space<hbm>>) dst(%dma_wait3A_346 : memref<80x128xf32, #tpu.memory_space<vmem>>)
    %dma_wait3A_353 = arith.constant 15 : i32
    %dma_wait3A_354 = arith.constant 400 : i32
    %dma_wait3A_355 = arith.constant 0 : i32
    %dma_wait3A_356 = tpu.memref_slice %arg6[%dma_wait3A_354, %dma_wait3A_355] : memref<800x128xf32, #tpu.memory_space<vmem>> -> memref<80x128xf32, #tpu.memory_space<vmem>>
    %dma_wait3A_357 = arith.constant 0 : i32
    %dma_wait3A_358 = tpu.memref_slice %arg5[%dma_wait3A_353, %dma_wait3A_357] : memref<20x80xi32, #tpu.memory_space<vmem>> -> memref<1x80xi32, #tpu.memory_space<vmem>>
    %dma_wait3A_359 = tpu.memref_squeeze %dma_wait3A_358 : memref<1x80xi32, #tpu.memory_space<vmem>> -> memref<80xi32, #tpu.memory_space<vmem>>
    %dma_wait3A_360 = arith.constant 0 : i32
    %dma_wait3A_361 = arith.constant 0 : i32
    %dma_wait3A_362 = tpu.memref_slice %arg2[%dma_wait3A_360, %dma_wait3A_361] : memref<51200x128xf32, #tpu.memory_space<hbm>> -> memref<51200x128xf32, #tpu.memory_space<hbm>>
    tpu.wait_indirect_dma semaphore(%arg7 : memref<!tpu.dma_semaphore, #tpu.memory_space<semaphore_mem>>) src(%dma_wait3A_362 : memref<51200x128xf32, #tpu.memory_space<hbm>>) dst(%dma_wait3A_356 : memref<80x128xf32, #tpu.memory_space<vmem>>)
    %dma_wait3A_363 = arith.constant 16 : i32
    %dma_wait3A_364 = arith.constant 480 : i32
    %dma_wait3A_365 = arith.constant 0 : i32
    %dma_wait3A_366 = tpu.memref_slice %arg6[%dma_wait3A_364, %dma_wait3A_365] : memref<800x128xf32, #tpu.memory_space<vmem>> -> memref<80x128xf32, #tpu.memory_space<vmem>>
    %dma_wait3A_367 = arith.constant 0 : i32
    %dma_wait3A_368 = tpu.memref_slice %arg5[%dma_wait3A_363, %dma_wait3A_367] : memref<20x80xi32, #tpu.memory_space<vmem>> -> memref<1x80xi32, #tpu.memory_space<vmem>>
    %dma_wait3A_369 = tpu.memref_squeeze %dma_wait3A_368 : memref<1x80xi32, #tpu.memory_space<vmem>> -> memref<80xi32, #tpu.memory_space<vmem>>
    %dma_wait3A_370 = arith.constant 0 : i32
    %dma_wait3A_371 = arith.constant 0 : i32
    %dma_wait3A_372 = tpu.memref_slice %arg2[%dma_wait3A_370, %dma_wait3A_371] : memref<51200x128xf32, #tpu.memory_space<hbm>> -> memref<51200x128xf32, #tpu.memory_space<hbm>>
    tpu.wait_indirect_dma semaphore(%arg7 : memref<!tpu.dma_semaphore, #tpu.memory_space<semaphore_mem>>) src(%dma_wait3A_372 : memref<51200x128xf32, #tpu.memory_space<hbm>>) dst(%dma_wait3A_366 : memref<80x128xf32, #tpu.memory_space<vmem>>)
    %dma_wait3A_373 = arith.constant 17 : i32
    %dma_wait3A_374 = arith.constant 560 : i32
    %dma_wait3A_375 = arith.constant 0 : i32
    %dma_wait3A_376 = tpu.memref_slice %arg6[%dma_wait3A_374, %dma_wait3A_375] : memref<800x128xf32, #tpu.memory_space<vmem>> -> memref<80x128xf32, #tpu.memory_space<vmem>>
    %dma_wait3A_377 = arith.constant 0 : i32
    %dma_wait3A_378 = tpu.memref_slice %arg5[%dma_wait3A_373, %dma_wait3A_377] : memref<20x80xi32, #tpu.memory_space<vmem>> -> memref<1x80xi32, #tpu.memory_space<vmem>>
    %dma_wait3A_379 = tpu.memref_squeeze %dma_wait3A_378 : memref<1x80xi32, #tpu.memory_space<vmem>> -> memref<80xi32, #tpu.memory_space<vmem>>
    %dma_wait3A_380 = arith.constant 0 : i32
    %dma_wait3A_381 = arith.constant 0 : i32
    %dma_wait3A_382 = tpu.memref_slice %arg2[%dma_wait3A_380, %dma_wait3A_381] : memref<51200x128xf32, #tpu.memory_space<hbm>> -> memref<51200x128xf32, #tpu.memory_space<hbm>>
    tpu.wait_indirect_dma semaphore(%arg7 : memref<!tpu.dma_semaphore, #tpu.memory_space<semaphore_mem>>) src(%dma_wait3A_382 : memref<51200x128xf32, #tpu.memory_space<hbm>>) dst(%dma_wait3A_376 : memref<80x128xf32, #tpu.memory_space<vmem>>)
    %dma_wait3A_383 = arith.constant 18 : i32
    %dma_wait3A_384 = arith.constant 640 : i32
    %dma_wait3A_385 = arith.constant 0 : i32
    %dma_wait3A_386 = tpu.memref_slice %arg6[%dma_wait3A_384, %dma_wait3A_385] : memref<800x128xf32, #tpu.memory_space<vmem>> -> memref<80x128xf32, #tpu.memory_space<vmem>>
    %dma_wait3A_387 = arith.constant 0 : i32
    %dma_wait3A_388 = tpu.memref_slice %arg5[%dma_wait3A_383, %dma_wait3A_387] : memref<20x80xi32, #tpu.memory_space<vmem>> -> memref<1x80xi32, #tpu.memory_space<vmem>>
    %dma_wait3A_389 = tpu.memref_squeeze %dma_wait3A_388 : memref<1x80xi32, #tpu.memory_space<vmem>> -> memref<80xi32, #tpu.memory_space<vmem>>
    %dma_wait3A_390 = arith.constant 0 : i32
    %dma_wait3A_391 = arith.constant 0 : i32
    %dma_wait3A_392 = tpu.memref_slice %arg2[%dma_wait3A_390, %dma_wait3A_391] : memref<51200x128xf32, #tpu.memory_space<hbm>> -> memref<51200x128xf32, #tpu.memory_space<hbm>>
    tpu.wait_indirect_dma semaphore(%arg7 : memref<!tpu.dma_semaphore, #tpu.memory_space<semaphore_mem>>) src(%dma_wait3A_392 : memref<51200x128xf32, #tpu.memory_space<hbm>>) dst(%dma_wait3A_386 : memref<80x128xf32, #tpu.memory_space<vmem>>)
    %dma_wait3A_393 = arith.constant 19 : i32
    %dma_wait3A_394 = arith.constant 720 : i32
    %dma_wait3A_395 = arith.constant 0 : i32
    %dma_wait3A_396 = tpu.memref_slice %arg6[%dma_wait3A_394, %dma_wait3A_395] : memref<800x128xf32, #tpu.memory_space<vmem>> -> memref<80x128xf32, #tpu.memory_space<vmem>>
    %dma_wait3A_397 = arith.constant 0 : i32
    %dma_wait3A_398 = tpu.memref_slice %arg5[%dma_wait3A_393, %dma_wait3A_397] : memref<20x80xi32, #tpu.memory_space<vmem>> -> memref<1x80xi32, #tpu.memory_space<vmem>>
    %dma_wait3A_399 = tpu.memref_squeeze %dma_wait3A_398 : memref<1x80xi32, #tpu.memory_space<vmem>> -> memref<80xi32, #tpu.memory_space<vmem>>
    %dma_wait3A_400 = arith.constant 0 : i32
    %dma_wait3A_401 = arith.constant 0 : i32
    %dma_wait3A_402 = tpu.memref_slice %arg2[%dma_wait3A_400, %dma_wait3A_401] : memref<51200x128xf32, #tpu.memory_space<hbm>> -> memref<51200x128xf32, #tpu.memory_space<hbm>>
    tpu.wait_indirect_dma semaphore(%arg7 : memref<!tpu.dma_semaphore, #tpu.memory_space<semaphore_mem>>) src(%dma_wait3A_402 : memref<51200x128xf32, #tpu.memory_space<hbm>>) dst(%dma_wait3A_396 : memref<80x128xf32, #tpu.memory_space<vmem>>)
    %add3A_403 = arith.constant 800 : i32
    %add3A_404 = arith.addi %mul3A_2, %add3A_403 : i32
    "tpu.region"() ({
      %run_scoped3A = tpu.sem_alloc : memref<!tpu.dma_semaphore, #tpu.memory_space<semaphore_mem>>
      %dma_start3A_405 = arith.constant 0 : i32
      %dma_start3A_406 = tpu.memref_slice %arg4[%add3A_404, %dma_start3A_405] : memref<51200x128xf32, #tpu.memory_space<hbm>> -> memref<800x128xf32, #tpu.memory_space<hbm>>
      %dma_start3A_407 = arith.constant 0 : i32
      %dma_start3A_408 = tpu.memref_slice %arg4[%add3A_404, %dma_start3A_407] : memref<51200x128xf32, #tpu.memory_space<hbm>> -> memref<800x128xf32, #tpu.memory_space<hbm>>
      tpu.enqueue_dma source(%arg6 : memref<800x128xf32, #tpu.memory_space<vmem>>) target(%dma_start3A_408 : memref<800x128xf32, #tpu.memory_space<hbm>>) target_semaphore(%run_scoped3A : memref<!tpu.dma_semaphore, #tpu.memory_space<semaphore_mem>>)
      %dma_wait3A_409 = arith.constant 0 : i32
      %dma_wait3A_410 = tpu.memref_slice %arg4[%add3A_404, %dma_wait3A_409] : memref<51200x128xf32, #tpu.memory_space<hbm>> -> memref<800x128xf32, #tpu.memory_space<hbm>>
      %dma_wait3A_411 = arith.constant 0 : i32
      %dma_wait3A_412 = tpu.memref_slice %arg4[%add3A_404, %dma_wait3A_411] : memref<51200x128xf32, #tpu.memory_space<hbm>> -> memref<800x128xf32, #tpu.memory_space<hbm>>
      tpu.wait_dma2 semaphore(%run_scoped3A : memref<!tpu.dma_semaphore, #tpu.memory_space<semaphore_mem>>) src(%arg6 : memref<800x128xf32, #tpu.memory_space<vmem>>) dst(%dma_wait3A_412 : memref<800x128xf32, #tpu.memory_space<hbm>>)
      tpu.yield
    }) : () -> ()
    return
  }
}

module attributes {stable_mosaic.version = 14 : i64} {
  func.func @_transpose_step(%arg0: i32, %arg1: memref<64x2048xf32, #tpu.memory_space<vmem>>, %arg2: memref<64x2048xf32, #tpu.memory_space<vmem>>, %arg3: memref<2048x128xf32, #tpu.memory_space<vmem>>) attributes {dimension_semantics = [#tpu.dimension_semantics<arbitrary>], iteration_bounds = array<i64: 25>, scalar_prefetch = 0 : i64, scratch_operands = 0 : i64, tpu.core_type = #tpu.core_type<tc>, window_params = [{transform_indices = @transform_0, window_bounds = array<i64: 64, 2048>}, {transform_indices = @transform_1, window_bounds = array<i64: 64, 2048>}, {transform_indices = @transform_2, window_bounds = array<i64: 2048, 128>}]} {
    %get3A = arith.constant 0 : index
    %get3A_0 = arith.constant 0 : index
    %get3A_1 = vector.load %arg1[%get3A, %get3A_0] : memref<64x2048xf32, #tpu.memory_space<vmem>>, vector<64x2048xf32>
    %transpose3A = tpu.transpose %get3A_1, [1, 0] : vector<64x2048xf32> -> vector<2048x64xf32>
    %swap3A = arith.constant 0 : index
    %swap3A_2 = arith.constant 0 : index
    %swap3A_3 = vector.load %arg3[%swap3A, %swap3A_2] : memref<2048x128xf32, #tpu.memory_space<vmem>>, vector<2048x64xf32>
    tpu.vector_store %arg3[%swap3A, %swap3A_2], %transpose3A {strides = array<i32>} : memref<2048x128xf32, #tpu.memory_space<vmem>>, vector<2048x64xf32>,
    %get3A_4 = arith.constant 0 : index
    %get3A_5 = arith.constant 0 : index
    %get3A_6 = vector.load %arg2[%get3A_4, %get3A_5] : memref<64x2048xf32, #tpu.memory_space<vmem>>, vector<64x2048xf32>
    %transpose3A_7 = tpu.transpose %get3A_6, [1, 0] : vector<64x2048xf32> -> vector<2048x64xf32>
    %swap3A_8 = arith.constant 0 : index
    %swap3A_9 = arith.constant 64 : index
    %swap3A_10 = vector.load %arg3[%swap3A_8, %swap3A_9] : memref<2048x128xf32, #tpu.memory_space<vmem>>, vector<2048x64xf32>
    tpu.vector_store %arg3[%swap3A_8, %swap3A_9], %transpose3A_7 {strides = array<i32>} : memref<2048x128xf32, #tpu.memory_space<vmem>>, vector<2048x64xf32>,
    return
  }
  func.func @transform_0(%arg0: i32) -> (i32, i32) {
    %c0_i32 = arith.constant 0 : i32
    %c0_i32_0 = arith.constant 0 : i32
    return %c0_i32, %arg0 : i32, i32
  }
  func.func @transform_1(%arg0: i32) -> (i32, i32) {
    %add3A = arith.constant 25 : i32
    %add3A_0 = arith.addi %arg0, %add3A : i32
    %min3A = arith.constant 48 : i32
    %min3A_1 = arith.minsi %add3A_0, %min3A : i32
    %c0_i32 = arith.constant 0 : i32
    %c0_i32_2 = arith.constant 0 : i32
    return %c0_i32, %min3A_1 : i32, i32
  }
  func.func @transform_2(%arg0: i32) -> (i32, i32) {
    %c0_i32 = arith.constant 0 : i32
    %c0_i32_0 = arith.constant 0 : i32
    return %arg0, %c0_i32 : i32, i32
  }
}

module attributes {stable_mosaic.version = 14 : i64} {
  func.func @_rnn_step(%arg0: i32, %arg1: memref<1x1024x128xf32, #tpu.memory_space<vmem>>, %arg2: memref<1024x100xf32, #tpu.memory_space<vmem>>, %arg3: memref<1024x1xi32, #tpu.memory_space<vmem>>, %arg4: memref<128x256xf32, #tpu.memory_space<vmem>>, %arg5: memref<128x128xf32, #tpu.memory_space<vmem>>, %arg6: memref<1x128xf32, #tpu.memory_space<vmem>>, %arg7: memref<1x1024x128xf32, #tpu.memory_space<vmem>>, %arg8: memref<1024x128xf32, #tpu.memory_space<vmem>>, %arg9: memref<1024x128xf32, #tpu.memory_space<vmem>>) attributes {dimension_semantics = [#tpu.dimension_semantics<arbitrary>], iteration_bounds = array<i64: 50>, scalar_prefetch = 0 : i64, scratch_operands = 1 : i64, tpu.core_type = #tpu.core_type<tc>, window_params = [{transform_indices = @transform_0, window_bounds = array<i64: 1, 1024, 128>}, {pipeline_mode = #tpu.pipeline_mode<synchronous>, transform_indices = @transform_1, window_bounds = array<i64: 1024, 100>}, {pipeline_mode = #tpu.pipeline_mode<synchronous>, transform_indices = @transform_2, window_bounds = array<i64: 1024, 1>}, {pipeline_mode = #tpu.pipeline_mode<synchronous>, transform_indices = @transform_3, window_bounds = array<i64: 128, 256>}, {pipeline_mode = #tpu.pipeline_mode<synchronous>, transform_indices = @transform_4, window_bounds = array<i64: 128, 128>}, {pipeline_mode = #tpu.pipeline_mode<synchronous>, transform_indices = @transform_5, window_bounds = array<i64: 1, 128>}, {transform_indices = @transform_6, window_bounds = array<i64: 1, 1024, 128>}, {pipeline_mode = #tpu.pipeline_mode<synchronous>, transform_indices = @transform_7, window_bounds = array<i64: 1024, 128>}]} {
    %eq3A = arith.constant 0 : i32
    %eq3A_0 = arith.cmpi eq, %arg0, %eq3A : i32
    %convert_element_type3A = arith.extui %eq3A_0 : i1 to i32
    %cond3A = arith.constant 0 : i32
    %cond3A_1 = arith.cmpi ne, %convert_element_type3A, %cond3A : i32
    scf.if %cond3A_1 {
      %broadcast_in_dim3A_66 = arith.constant 0.000000e+00 : f32
      %broadcast_in_dim3A_67 = vector.broadcast %broadcast_in_dim3A_66 : f32 to vector<1024x128xf32>
      %swap3A_68 = arith.constant 0 : index
      %swap3A_69 = arith.constant 0 : index
      %swap3A_70 = vector.load %arg9[%swap3A_68, %swap3A_69] : memref<1024x128xf32, #tpu.memory_space<vmem>>, vector<1024x128xf32>
      tpu.vector_store %arg9[%swap3A_68, %swap3A_69], %broadcast_in_dim3A_67 {strides = array<i32>} : memref<1024x128xf32, #tpu.memory_space<vmem>>, vector<1024x128xf32>,
    } else {
    }
    %get3A = arith.constant 0 : index
    %get3A_2 = arith.constant 0 : index
    %get3A_3 = arith.constant 0 : index
    %get3A_4 = vector.load %arg1[%get3A, %get3A_2, %get3A_3] : memref<1x1024x128xf32, #tpu.memory_space<vmem>>, vector<1x1024x128xf32>
    %get3A_5 = vector.shape_cast %get3A_4 : vector<1x1024x128xf32> to vector<1024x128xf32>
    %get3A_6 = arith.constant 0 : index
    %get3A_7 = arith.constant 0 : index
    %get3A_8 = vector.load %arg4[%get3A_6, %get3A_7] : memref<128x256xf32, #tpu.memory_space<vmem>>, vector<128x256xf32>
    %dot_general3A = arith.constant dense<0.000000e+00> : vector<1024x256xf32>
    %dot_general3A_9 = tpu.matmul %get3A_5, %get3A_8, %dot_general3A {dimension_numbers = #tpu.dot_dimension_numbers<[1], [0], [0], [1], [0, 0, 1, 1], [], []>, transpose_lhs_hint = false} : vector<1024x128xf32>, vector<128x256xf32>, vector<1024x256xf32> -> vector<1024x256xf32>
    %iota3A = tpu.iota {dimensions = array<i32: 0>} : vector<100x2xi32>
    %iota3A_10 = tpu.iota {dimensions = array<i32: 1>} : vector<100x2xi32>
    %mul3A = arith.constant 50 : i32
    %mul3A_11 = vector.broadcast %mul3A : i32 to vector<100x2xi32>
    %mul3A_12 = arith.muli %iota3A_10, %mul3A_11 : vector<100x2xi32>
    %add3A = vector.broadcast %arg0 : i32 to vector<100x2xi32>
    %add3A_13 = arith.addi %add3A, %mul3A_12 : vector<100x2xi32>
    %eq3A_14 = arith.cmpi eq, %iota3A, %add3A_13 : vector<100x2xi32>
    %convert_element_type3A_15 = arith.extui %eq3A_14 : vector<100x2xi1> to vector<100x2xi32>
    %convert_element_type3A_16 = arith.sitofp %convert_element_type3A_15 : vector<100x2xi32> to vector<100x2xf32>
    %get3A_17 = arith.constant 0 : index
    %get3A_18 = arith.constant 0 : index
    %get3A_19 = vector.load %arg2[%get3A_17, %get3A_18] : memref<1024x100xf32, #tpu.memory_space<vmem>>, vector<1024x100xf32>
    %dot_general3A_20 = arith.constant dense<0.000000e+00> : vector<1024x2xf32>
    %dot_general3A_21 = tpu.matmul %get3A_19, %convert_element_type3A_16, %dot_general3A_20 {dimension_numbers = #tpu.dot_dimension_numbers<[1], [0], [0], [1], [0, 0, 1, 1], [], []>, transpose_lhs_hint = false} : vector<1024x100xf32>, vector<100x2xf32>, vector<1024x2xf32> -> vector<1024x2xf32>
    %slice3A = vector.extract_strided_slice %dot_general3A_21 {offsets = [0, 0], sizes = [1024, 1], strides = [1, 1]} : vector<1024x2xf32> to vector<1024x1xf32>
    %slice3A_22 = vector.extract_strided_slice %dot_general3A_21 {offsets = [0, 1], sizes = [1024, 1], strides = [1, 1]} : vector<1024x2xf32> to vector<1024x1xf32>
    %slice3A_23 = vector.extract_strided_slice %dot_general3A_9 {offsets = [0, 0], sizes = [1024, 128], strides = [1, 1]} : vector<1024x256xf32> to vector<1024x128xf32>
    %mul3A_24 = vector.broadcast %slice3A : vector<1024x1xf32> to vector<1024x128xf32>
    %mul3A_25 = arith.mulf %slice3A_23, %mul3A_24 : vector<1024x128xf32>
    %slice3A_26 = vector.extract_strided_slice %dot_general3A_9 {offsets = [0, 128], sizes = [1024, 128], strides = [1, 1]} : vector<1024x256xf32> to vector<1024x128xf32>
    %mul3A_27 = vector.broadcast %slice3A_22 : vector<1024x1xf32> to vector<1024x128xf32>
    %mul3A_28 = arith.mulf %slice3A_26, %mul3A_27 : vector<1024x128xf32>
    %add3A_29 = arith.addf %mul3A_25, %mul3A_28 : vector<1024x128xf32>
    %get3A_30 = arith.constant 0 : index
    %get3A_31 = arith.constant 0 : index
    %get3A_32 = vector.load %arg9[%get3A_30, %get3A_31] : memref<1024x128xf32, #tpu.memory_space<vmem>>, vector<1024x128xf32>
    %get3A_33 = arith.constant 0 : index
    %get3A_34 = arith.constant 0 : index
    %get3A_35 = vector.load %arg5[%get3A_33, %get3A_34] : memref<128x128xf32, #tpu.memory_space<vmem>>, vector<128x128xf32>
    %dot_general3A_36 = arith.constant dense<0.000000e+00> : vector<1024x128xf32>
    %dot_general3A_37 = tpu.matmul %get3A_32, %get3A_35, %dot_general3A_36 {dimension_numbers = #tpu.dot_dimension_numbers<[1], [0], [0], [1], [0, 0, 1, 1], [], []>, transpose_lhs_hint = false} : vector<1024x128xf32>, vector<128x128xf32>, vector<1024x128xf32> -> vector<1024x128xf32>
    %add3A_38 = arith.addf %add3A_29, %dot_general3A_37 : vector<1024x128xf32>
    %get3A_39 = arith.constant 0 : index
    %get3A_40 = arith.constant 0 : index
    %get3A_41 = vector.load %arg6[%get3A_39, %get3A_40] : memref<1x128xf32, #tpu.memory_space<vmem>>, vector<1x128xf32>
    %add3A_42 = vector.broadcast %get3A_41 : vector<1x128xf32> to vector<1024x128xf32>
    %add3A_43 = arith.addf %add3A_38, %add3A_42 : vector<1024x128xf32>
    %tanh3A = math.tanh %add3A_43 : vector<1024x128xf32>
    %get3A_44 = arith.constant 0 : index
    %get3A_45 = arith.constant 0 : index
    %get3A_46 = vector.load %arg3[%get3A_44, %get3A_45] : memref<1024x1xi32, #tpu.memory_space<vmem>>, vector<1024x1xi32>
    %lt3A = vector.broadcast %arg0 : i32 to vector<1024x1xi32>
    %lt3A_47 = arith.cmpi slt, %lt3A, %get3A_46 : vector<1024x1xi32>
    %broadcast_in_dim3A = vector.shape_cast %lt3A_47 : vector<1024x1xi1> to vector<1024x1xi1>
    %broadcast_in_dim3A_48 = vector.broadcast %broadcast_in_dim3A : vector<1024x1xi1> to vector<1024x128xi1>
    %select_n3A = arith.select %broadcast_in_dim3A_48, %tanh3A, %get3A_32 : vector<1024x128xi1>, vector<1024x128xf32>
    %swap3A = arith.constant 0 : index
    %swap3A_49 = arith.constant 0 : index
    %swap3A_50 = vector.load %arg9[%swap3A, %swap3A_49] : memref<1024x128xf32, #tpu.memory_space<vmem>>, vector<1024x128xf32>
    tpu.vector_store %arg9[%swap3A, %swap3A_49], %select_n3A {strides = array<i32>} : memref<1024x128xf32, #tpu.memory_space<vmem>>, vector<1024x128xf32>,
    %jit3A = arith.constant 0.000000e+00 : f32
    %broadcast_in_dim3A_51 = vector.shape_cast %lt3A_47 : vector<1024x1xi1> to vector<1024x1xi1>
    %broadcast_in_dim3A_52 = vector.broadcast %broadcast_in_dim3A_51 : vector<1024x1xi1> to vector<1024x128xi1>
    %broadcast_in_dim3A_53 = vector.broadcast %jit3A : f32 to vector<1024x128xf32>
    %select_n3A_54 = arith.select %broadcast_in_dim3A_52, %tanh3A, %broadcast_in_dim3A_53 : vector<1024x128xi1>, vector<1024x128xf32>
    %swap3A_55 = arith.constant 0 : index
    %swap3A_56 = arith.constant 0 : index
    %swap3A_57 = arith.constant 0 : index
    %swap3A_58 = vector.load %arg7[%swap3A_55, %swap3A_56, %swap3A_57] : memref<1x1024x128xf32, #tpu.memory_space<vmem>>, vector<1x1024x128xf32>
    %swap3A_59 = vector.shape_cast %swap3A_58 : vector<1x1024x128xf32> to vector<1024x128xf32>
    %swap3A_60 = vector.shape_cast %select_n3A_54 : vector<1024x128xf32> to vector<1x1024x128xf32>
    tpu.vector_store %arg7[%swap3A_55, %swap3A_56, %swap3A_57], %swap3A_60 {strides = array<i32>} : memref<1x1024x128xf32, #tpu.memory_space<vmem>>, vector<1x1024x128xf32>,
    %eq3A_61 = arith.constant 49 : i32
    %eq3A_62 = arith.cmpi eq, %arg0, %eq3A_61 : i32
    %convert_element_type3A_63 = arith.extui %eq3A_62 : i1 to i32
    %cond3A_64 = arith.constant 0 : i32
    %cond3A_65 = arith.cmpi ne, %convert_element_type3A_63, %cond3A_64 : i32
    scf.if %cond3A_65 {
      %swap3A_66 = arith.constant 0 : index
      %swap3A_67 = arith.constant 0 : index
      %swap3A_68 = vector.load %arg8[%swap3A_66, %swap3A_67] : memref<1024x128xf32, #tpu.memory_space<vmem>>, vector<1024x128xf32>
      tpu.vector_store %arg8[%swap3A_66, %swap3A_67], %select_n3A {strides = array<i32>} : memref<1024x128xf32, #tpu.memory_space<vmem>>, vector<1024x128xf32>,
    } else {
    }
    return
  }
  func.func @transform_0(%arg0: i32) -> (i32, i32, i32) {
    %c0_i32 = arith.constant 0 : i32
    %c0_i32_0 = arith.constant 0 : i32
    %c0_i32_1 = arith.constant 0 : i32
    return %arg0, %c0_i32, %c0_i32_0 : i32, i32, i32
  }
  func.func @transform_1(%arg0: i32) -> (i32, i32) {
    %c0_i32 = arith.constant 0 : i32
    %c0_i32_0 = arith.constant 0 : i32
    %c0_i32_1 = arith.constant 0 : i32
    return %c0_i32, %c0_i32_0 : i32, i32
  }
  func.func @transform_2(%arg0: i32) -> (i32, i32) {
    %c0_i32 = arith.constant 0 : i32
    %c0_i32_0 = arith.constant 0 : i32
    %c0_i32_1 = arith.constant 0 : i32
    return %c0_i32, %c0_i32_0 : i32, i32
  }
  func.func @transform_3(%arg0: i32) -> (i32, i32) {
    %c0_i32 = arith.constant 0 : i32
    %c0_i32_0 = arith.constant 0 : i32
    %c0_i32_1 = arith.constant 0 : i32
    return %c0_i32, %c0_i32_0 : i32, i32
  }
  func.func @transform_4(%arg0: i32) -> (i32, i32) {
    %c0_i32 = arith.constant 0 : i32
    %c0_i32_0 = arith.constant 0 : i32
    %c0_i32_1 = arith.constant 0 : i32
    return %c0_i32, %c0_i32_0 : i32, i32
  }
  func.func @transform_5(%arg0: i32) -> (i32, i32) {
    %c0_i32 = arith.constant 0 : i32
    %c0_i32_0 = arith.constant 0 : i32
    %c0_i32_1 = arith.constant 0 : i32
    return %c0_i32, %c0_i32_0 : i32, i32
  }
  func.func @transform_6(%arg0: i32) -> (i32, i32, i32) {
    %c0_i32 = arith.constant 0 : i32
    %c0_i32_0 = arith.constant 0 : i32
    %c0_i32_1 = arith.constant 0 : i32
    return %arg0, %c0_i32, %c0_i32_0 : i32, i32, i32
  }
  func.func @transform_7(%arg0: i32) -> (i32, i32) {
    %c0_i32 = arith.constant 0 : i32
    %c0_i32_0 = arith.constant 0 : i32
    %c0_i32_1 = arith.constant 0 : i32
    return %c0_i32, %c0_i32_0 : i32, i32
  }
}

</mosaic_0001>

<sc_bundles>
// kernel: kernel.5.cloned.1.call-start
scs
__scs_entry_jumppad:
0x0: {  	(pc) =	sbr.rel $0x88, $3  }
0x1: {  	(tag) =	ssettag $0x0;
	lr =	simm.s32 $0x1  }
0x2: {  	[smem:$0x3F9A] =	sst lr;
	_ =	strace $0xD0000000  }
0x3: {  	_ = 	snop  }
0x4: {  	_ = 	snop  }
0x5: {  	_ = 	snop  }
0x6: {  	_ = 	snop  }
0x7: {  	_ = 	snop  }
__scs_overlays_trampoline_lowered:
0x8: {  	[smem:$0x3FA9] =	sst s0  }
0x9: {  	[smem:$0x3FAA] =	sst s1  }
0xa: {  	[smem:$0x3FAB] =	sst s2  }
0xb: {  	[smem:$0x3FAC] =	sst s3  }
0xc: {  	[smem:$0x3FAD] =	sst s4  }
0xd: {  	[smem:$0x3FAE] =	sst s5  }
0xe: {  	[smem:$0x3FAF] =	sst s6  }
0xf: {  	[smem:$0x3FB0] =	sst s7  }
0x10: {  	[smem:$0x3FB1] =	sst s8  }
0x11: {  	[smem:$0x3FB2] =	sst s9;
	s0 =	simm.s32 @!p0 $0x0  }
0x12: {  	s1 =	sld [smem:$0x3F98];
	s0 =	simm.s32 @p0 $0x1  }
0x13: {  	[smem:$0x3FB3] =	sst s0;
	s0 =	simm.s32 @!p1 $0x0  }
0x14: {  	s2 =	sld [smem:$0x3F97];
	s0 =	simm.s32 @p1 $0x1  }
0x15: {  	[smem:$0x3FB4] =	sst s0;
	s0 =	simm.s32 @!p2 $0x0  }
0x16: {  	s3 =	sld [smem:$0x3FDB];
	s0 =	simm.s32 @p2 $0x1  }
0x17: {  	s4 =	simm.s32 $0x1BF5;
	[smem:$0x3FB6] =	sst s0  }
0x18: {  	s0 =	sld [smem:$0x3F99];
	_ =	swait.ge [sflag:s4], $0x0  }
0x19: {  	s7 =	sld [smem:$0x3F9A]  }
0x1a: {  	s8 =	sadd.s32 $0xFFFFE003, lr  }
0x1b: {  	s9 =	sadd.s32 $0xFFFFFEF7, lr;
	s5 =	simm.s32 $0xFFFFFFFF;
	p2 =	slt.u32 s8, $0xFFFFF086  }
0x1c: {  	p1 =	slt.u32 s9, $0xF7A;
	s5 =	simm.s32 @!p2 $0x0  }
0x1d: {  	s5 =	simm.s32 @p1 $0x1;
	p0 =	seq.s32 s7, s2  }
0x1e: {  	s7 =	smul.u32 @!p0 $0xF7A, s2;
	p2 =	seq.s32 @!p0 s5, $0x0  }
0x1f: {  	s9 =	smul.u32 $0xF7A, s1;
	s8 =	simm.s32 @!p0 $0x1BF5;
	p2 =	por !p2, p0  }
0x20: {  	[sflag:s8] =	ssyncset.s32 @!p0 $0xFFFFF086;
	s6 =	sadd.s32 @!p0 s3, s7;
	s7 =	simm.s32 @!p0 $0x108  }
0x21: {  	s3 =	sadd.s32 s3, s9;
	s6 =	sadd.s32 @!p0 $0x88, s6;
	s7 =	simm.s32 @p2 $0x1082  }
0x22: {  	[simem:s7], [sflag:s8] =	dma.local @!p0 [hbm:s6], $0xF7A  }
0x23: {  	s9 =	sor.u32 $0xD0000000, s2;
	s6 =	simm.s32 $0x108;
	_ =	swait.ge @!p0 [sflag:s8], $0x0  }
0x24: {  	s3 =	sadd.s32 $0x88, s3;
	s6 =	simm.s32 @!p1 $0x1082;
	[sflag:s4] =	ssyncset.s32 $0xFFFFF086  }
0x25: {  	[simem:s6], [sflag:s4] =	dma.local [hbm:s3], $0xF7A  }
0x26: {  	[smem:$0x3F9A] =	sst s1;
	(tag) =	ssettag s2;
	_ =	strace s9  }
0x27: {  	s1 =	sld [smem:$0x3FAA]  }
0x28: {  	s2 =	sld [smem:$0x3FAB]  }
0x29: {  	s4 =	sld [smem:$0x3FAD]  }
0x2a: {  	p0 =	seq.s32 s5, $0x0;
	s5 =	sld [smem:$0x3FAE]  }
0x2b: {  	s6 =	sld [smem:$0x3FAF]  }
0x2c: {  	s7 =	sld [smem:$0x3FB0]  }
0x2d: {  	s3 =	simm.s32 $0x108;
	s8 =	sld [smem:$0x3FB1]  }
0x2e: {  	s3 =	simm.s32 @!p0 $0x1082;
	s9 =	sld [smem:$0x3FB2]  }
0x2f: {  	lr =	sadd.s32 s0, s3;
	s0 =	sld [smem:$0x3FA9]  }
0x30: {  	s3 =	sld [smem:$0x3FAC]  }
0x31: {  	[smem:$0x3FB5] =	sst s10  }
0x32: {  	s10 =	sld [smem:$0x3FB3];
	_ =	sdelay $0x3  }
0x33: {  	p0 =	seq.s32 s10, $0x1;
	s10 =	sld [smem:$0x3FB5];
	_ =	sdelay $0x3  }
0x34: {  	[smem:$0x3FB5] =	sst s10  }
0x35: {  	s10 =	sld [smem:$0x3FB4];
	_ =	sdelay $0x3  }
0x36: {  	p1 =	seq.s32 s10, $0x1;
	s10 =	sld [smem:$0x3FB5];
	_ =	sdelay $0x3  }
0x37: {  	[smem:$0x3FB5] =	sst s10  }
0x38: {  	s10 =	sld [smem:$0x3FB6]  }
0x39: {  	_ = 	snop;
	(pc) =	sbr.ind lr, $3  }
0x3a: {  	_ = 	snop  }
0x3b: {  	_ = 	snop  }
0x3c: {  	p2 =	seq.s32 s10, $0x1;
	s10 =	sld [smem:$0x3FB5]  }
0x3d: {  	_ =	shalt  }
0x3e: {  	_ =	shalt  }
0x3f: {  	_ =	shalt  }
0x40: {  	_ =	shalt  }
0x41: {  	_ =	shalt  }
0x42: {  	_ =	shalt  }
0x43: {  	_ =	shalt  }
0x44: {  	_ =	shalt  }
0x45: {  	_ =	shalt  }
0x46: {  	_ =	shalt  }
0x47: {  	_ =	shalt  }
0x48: {  	_ =	shalt  }
0x49: {  	_ =	shalt  }
0x4a: {  	_ =	shalt  }
0x4b: {  	_ =	shalt  }
0x4c: {  	_ =	shalt  }
0x4d: {  	_ =	shalt  }
0x4e: {  	_ =	shalt  }
0x4f: {  	_ =	shalt  }
0x50: {  	_ =	shalt  }
0x51: {  	_ =	shalt  }
0x52: {  	_ =	shalt  }
0x53: {  	_ =	shalt  }
0x54: {  	_ =	shalt  }
0x55: {  	_ =	shalt  }
0x56: {  	_ =	shalt  }
0x57: {  	_ =	shalt  }
0x58: {  	_ =	shalt  }
0x59: {  	_ =	shalt  }
0x5a: {  	_ =	shalt  }
0x5b: {  	_ =	shalt  }
0x5c: {  	_ =	shalt  }
0x5d: {  	_ =	shalt  }
0x5e: {  	_ =	shalt  }
0x5f: {  	_ =	shalt  }
0x60: {  	_ =	shalt  }
0x61: {  	_ =	shalt  }
0x62: {  	_ =	shalt  }
0x63: {  	_ =	shalt  }
0x64: {  	_ =	shalt  }
0x65: {  	_ =	shalt  }
0x66: {  	_ =	shalt  }
0x67: {  	_ =	shalt  }
0x68: {  	_ =	shalt  }
0x69: {  	_ =	shalt  }
0x6a: {  	_ =	shalt  }
0x6b: {  	_ =	shalt  }
0x6c: {  	_ =	shalt  }
0x6d: {  	_ =	shalt  }
0x6e: {  	_ =	shalt  }
0x6f: {  	_ =	shalt  }
0x70: {  	_ =	shalt  }
0x71: {  	_ =	shalt  }
0x72: {  	_ =	shalt  }
0x73: {  	_ =	shalt  }
0x74: {  	_ =	shalt  }
0x75: {  	_ =	shalt  }
0x76: {  	_ =	shalt  }
0x77: {  	_ =	shalt  }
0x78: {  	_ =	shalt  }
0x79: {  	_ =	shalt  }
0x7a: {  	_ =	shalt  }
0x7b: {  	_ =	shalt  }
0x7c: {  	_ =	shalt  }
0x7d: {  	_ =	shalt  }
0x7e: {  	_ =	shalt  }
0x7f: {  	_ =	shalt  }
0x80: {  	_ =	shalt  }
0x81: {  	_ =	shalt  }
0x82: {  	_ =	shalt  }
0x83: {  	_ =	shalt  }
0x84: {  	_ =	shalt  }
0x85: {  	_ =	shalt  }
0x86: {  	_ =	shalt  }
0x87: {  	_ =	shalt  }
.Lfunc_end0:
.L_simem_size_0:
called_computation_lowered:
.L_overlay_start_0:
0x88: {  	s2 =	sld [smem:$0x3FD9]  }
0x89: {  	s3 =	sld [smem:$0x3FFE];
	_ =	sdelay $0x1  }
0x8a: {  	s1 =	srdreg.scid  }
0x8b: {  	s0 =	sand.u32 $0x1, s1  }
0x8c: {  	s14 =	sshll.u32 s0, $0xA;
	s2 =	sadd.s32 s3, s2  }
0x8d: {  	s2 =	sadd.s32 s2, s14  }
0x8e: {  	[smem:$0x3FC1] =	sst s2  }
0x8f: {  	_ = 	snop  }
0x90: {  	s2 =	sld [smem:$0x3FD0];
	_ =	sdelay $0x2  }
0x91: {  	s15 =	simm.s32 $0xA;
	s4 =	simm.s32 $0x10  }
0x92: {  	[smem:s4], [sflag:s15] =	dma.local [hbm:s2], $0x1  }
0x93: {  	_ =	swait.eq [sflag:s15], $0x1  }
0x94: {  	[sflag:s15] =	ssyncset.done $0x0  }
0x95: {  	s16 =	sld [smem:$0x10];
	[sflag:s15] =	ssyncadd.s32 $0xFFFFFFFF  }
0x96: {  	s17 =	sld [smem:$0x11];
	(tm) =	ssettm $0x1  }
0x97: {  	s18 =	sld [smem:$0x3FFB];
	_ =	sdelay $0x3  }
0x98: {  	_ =	strace s18  }
0x99: {  	s4 =	sld [smem:$0x3FFC];
	_ =	sdelay $0x3  }
0x9a: {  	_ =	strace s4  }
0x9b: {  	s4 =	sld [smem:$0x3FFD];
	_ =	sdelay $0x3  }
0x9c: {  	_ =	strace s4  }
0x9d: {  	_ =	strace $0x8FFFFFFF  }
0x9e: {  	s19 =	sld [smem:$0x3FDB];
	_ =	sdelay $0x1  }
0x9f: {  	s5 =	simm.s32 $_scs_section_size  }
0xa0: {  	s6 =	simm.s32 $_size__tile_overlayer_lowered;
	s7 =	simm.s32 $_tile_overlayer_lowered  }
0xa1: {  	s22 =	simm.s32 $0x1BFF;
	s21 =	sshll.u32 s7, $0x1;
	s4 =	sadd.s32 s5, s19  }
0xa2: {  	s8 =	simm.s32 $0x0;
	s20 =	sshll.u32 s6, $0x1;
	s6 =	sadd.s32 s21, s4  }
0xa3: {  	[timem:s8], [sflag:s22] =	dma.local [hbm:s6], s20  }
0xa4: {  	_ =	swait.ge [sflag:s22], s20  }
0xa5: {  	s5 =	ssub.s32 $0x0, s20;
	[sflag:s22] =	ssyncset.done $0x0  }
0xa6: {  	[sflag:s22] =	ssyncadd.s32 s5;
	_ =	sdelay $0x1  }
0xa7: {  	s23 =	simm.s32 $0x1B8B  }
0xa8: {  	_ =	swait.ge [sflag:s23], $0x1  }
0xa9: {  	[sflag:s23] =	ssyncset.done $0x0  }
0xaa: {  	s25 =	simm.s32 $0x1B8E;
	s24 =	sld [smem:$0x3FFE];
	[sflag:s23] =	ssyncadd.s32 $0xFFFFFFFF  }
0xab: {  	s26 =	simm.s32 $execute0_lowered;
	[smem:$0x3FD2] =	sst s25  }
0xac: {  	s6 =	sshll.u32 s26, $0x1;
	_ =	strace $0x80000046;
	[dreg:$0x1] =	wrdreg $0xFFFFFFFF  }
0xad: {  	s28 =	simm.s32 $_size_execute0_lowered;
	s4 =	sadd.s32 s4, s6;
	[dreg:$0x0] =	wrdreg $0x0  }
0xae: {  	s6 =	sshll.u32 s28, $0x1;
	[dreg:$0x2] =	wrdreg s4  }
0xaf: {  	[dreg:$0x3] =	wrdreg s6  }
0xb0: {  	[dreg:$0x4] =	wrdreg $0xC0  }
0xb1: {  	_ =	task [dreg:s8], $0x5FFFF  }
0xb2: {  	[dreg:$0x1] =	wrdreg $0xFFFFFFFF  }
0xb3: {  	[dreg:$0x0] =	wrdreg $0x60  }
0xb4: {  	[dreg:$0x2] =	wrdreg s16  }
0xb5: {  	[dreg:$0x3] =	wrdreg s17  }
0xb6: {  	[dreg:$0x4] =	wrdreg s24  }
0xb7: {  	[dreg:$0x5] =	wrdreg $0x9  }
0xb8: {  	_ =	task.clear_ibuf [dreg:s8], $0x6FFFF;
	_ =	strace $0x90000046  }
0xb9: {  	s29 =	simm.s32 $0x9;
	_ =	strace $0x80000048  }
0xba: {  	_ =	swait.ge [sflag:s29], $0x1  }
0xbb: {  	[sflag:s29] =	ssyncadd.s32 $0xFFFFFFFF  }
0xbc: {  	_ =	strace $0x90000048  }
0xbd: {  	_ =	sfence  }
0xbe: {  	s30 =	sld [smem:$0x0];
	_ =	sdelay $0x2  }
0xbf: {  	s31 =	sshll.u32 s1, $0xD;
	s1 =	sshrl.u32 s1, $0x2  }
0xc0: {  	s3 =	sand.u32 $0x4000, s31;
	s1 =	sadd.s32 s1, s30  }
0xc1: {  	s0 =	sor.u32 s3, s0;
	s1 =	sshll.u32 s1, $0x11  }
0xc2: {  	s0 =	sor.u32 s1, s0  }
0xc3: {  	s0 =	sadd.s32 $0x8F2B, s0  }
0xc4: {  	[sflag:s0] =	ssyncadd.remote.s32 $0x1  }
0xc5: {  	_ =	sfence.sel $0xFFFF  }
0xc6: {  	[dreg:$0x0] =	wrdreg $0xFFFFFFFF;
	(pc) =	sbr.abs _section_cstart, $3  }
0xc7: {  	[dreg:$0x1] =	wrdreg $0xFFFFFFFF  }
0xc8: {  	_ =	task.clear_ibuf [dreg:s8], $0x2FFFF;
	_ =	strace $0x9FFFFFFF  }
0xc9: {  	(tm) =	ssettm $0x7FFFFFFF  }
tec
execute0_lowered:
.L_overlay_start_1:
0x0: {  	(tag) =	ssettag $0x1  }
0x1: {  	s4 =	rddreg [dreg:$0x0]  }
0x2: {  	s0 =	srdreg.scid;
	s1 =	rddreg [dreg:$0x1]  }
0x3: {  	s17 =	stileid.u32;
	s3 =	rddreg [dreg:$0x2]  }
0x4: {  	s22 =	simm.s32 $0x80;
	s23 =	simm.s32 $0x100;
	s24 =	simm.s32 $0x180  }
0x5: {  	s8 =	simm.s32 $0x3400;
	s25 =	simm.s32 $0x200;
	s9 =	simm.s32 $0x5C00  }
0x6: {  	s26 =	simm.s32 $0x280;
	s10 =	simm.s32 $0x8400;
	s11 =	simm.s32 $0xAC00  }
0x7: {  	s12 =	simm.s32 $0xD400;
	s29 =	simm.s32 $0x300;
	s13 =	simm.s32 $0xFC00  }
0x8: {  	s30 =	simm.s32 $0x380;
	s14 =	simm.s32 $0x12400;
	s31 =	simm.s32 $0x400  }
0x9: {  	s15 =	simm.s32 $0x14C00;
	s0 =	sand.u32 $0x1, s0;
	s2 =	sshll.u32 s17, $0x1  }
0xa: {  	s16 =	simm.s32 $0x17400;
	s5 =	sor.u32 s0, s2;
	s2 =	simm.s32 $0x0  }
0xb: {  	p0 =	por $0x0, $0x0;
	s28 =	simm.s32 $0x980;
	[smem:$0x7FF] =	sst s2  }
0xc: {  	s3 =	sadd.s32 $0x1400, s3;
	_ =	strace $0x80000047;
	[dreg:$0x7] =	wrdreg s22  }
0xd: {  	s0 =	ssub.s32 $0x2, s0;
	s6 =	smul.u32 $0x180, s5;
	[dreg:$0x8] =	wrdreg s23  }
0xe: {  	s7 =	smul.u32 $0x32000, s5;
	s20 =	sshrl.u32 s0, $0x1;
	[dreg:$0x9] =	wrdreg s24  }
0xf: {  	s5 =	smul.u32 $0x6400, s5;
	s0 =	ssub.s32 s0, s20;
	[dreg:$0xa] =	wrdreg s25  }
0x10: {  	[dreg:$0xb] =	wrdreg s26;
	s20 =	simm.s32 $0x600;
	s22 =	simm.s32 $0x700  }
0x11: {  	s23 =	simm.s32 $0x780;
	s24 =	simm.s32 $0x800;
	s25 =	simm.s32 $0x880  }
0x12: {  	s26 =	simm.s32 $0x900;
	s1 =	sadd.s32 s1, s6;
	s0 =	smax.u32 s0, $0x1  }
0x13: {  	s18 =	sshrl.u32 s7, $0x3;
	s19 =	sadd.s32 s3, s5;
	p1 =	sne.s32 s0, $0x1  }
.Ltmp0:
0x14: {  	s7 =	simm.s32 $0x50;
	s5 =	simm.s32 $0xC00;
	(pc) =	sbr.rel @!p1 .LBB2_1-.Ltmp0, $4  }
0x15: {  	s6 =	simm.s32 $0x1;
	[dreg:$0x4] =	wrdreg s1;
	s3 =	sadd.s32 s3, s18  }
0x16: {  	[dreg:$0x5] =	wrdreg s19;
	s18 =	simm.s32 $0x480;
	s19 =	simm.s32 $0x580  }
0x17: {  	s1 =	sadd.s32 $0xFFFFFFFF, s0;
	s21 =	sadd.s32 $0x3200, s3;
	s0 =	rddreg [dreg:$0x4]  }
0x18: {  	s3 =	simm.s32 $0x2;
	[dreg:$0x6] =	wrdreg s21;
	s21 =	simm.s32 $0x680  }
0x19: {  	[tilespmem:s2], [sflag:$0x2] =	stream.linear.gather [hbm4b:s0+s2], $0xA00, $0x38;
	[tilespmem:$0x19C00] =	vst v63  }
0x1a: {  	_ =	swait.ge [sflag:s3], $0xA00  }
0x1b: {  	[sflag:s3] =	ssyncset.done $0x0  }
0x1c: {  	[sflag:s3] =	ssyncadd.s32 $0xFFFFF600  }
0x1d: {  	[tilespmem:s5], [sflag:$0x1] =	stream.indirect.gather [hbm4b:s4+s7], $0x80, s2, s7, $0xb8;
	[tilespmem:$0x19C00] =	vst v63  }
0x1e: {  	s0 =	rddreg [dreg:$0x7]  }
0x1f: {  	[tilespmem:s8], [sflag:$0x1] =	stream.indirect.gather [hbm4b:s4+s7], $0x80, s0, s7, $0xb8;
	[tilespmem:$0x19C00] =	vst v63  }
0x20: {  	s17 =	smov.u32 s1;
	s1 =	rddreg [dreg:$0x8]  }
0x21: {  	[tilespmem:s9], [sflag:$0x1] =	stream.indirect.gather [hbm4b:s4+s7], $0x80, s1, s7, $0xb8;
	[tilespmem:$0x19C00] =	vst v63  }
0x22: {  	s0 =	rddreg [dreg:$0x9]  }
0x23: {  	[tilespmem:s10], [sflag:$0x1] =	stream.indirect.gather [hbm4b:s4+s7], $0x80, s0, s7, $0xb8;
	[tilespmem:$0x19C00] =	vst v63  }
0x24: {  	s1 =	rddreg [dreg:$0xa]  }
0x25: {  	[tilespmem:s11], [sflag:$0x1] =	stream.indirect.gather [hbm4b:s4+s7], $0x80, s1, s7, $0xb8;
	[tilespmem:$0x19C00] =	vst v63  }
0x26: {  	s0 =	rddreg [dreg:$0xb]  }
0x27: {  	[tilespmem:s12], [sflag:$0x1] =	stream.indirect.gather [hbm4b:s4+s7], $0x80, s0, s7, $0xb8;
	[tilespmem:$0x19C00] =	vst v63  }
0x28: {  	_ = 	snop  }
0x29: {  	[tilespmem:s13], [sflag:$0x1] =	stream.indirect.gather [hbm4b:s4+s7], $0x80, s29, s7, $0xb8;
	[tilespmem:$0x19C00] =	vst v63  }
0x2a: {  	_ = 	snop  }
0x2b: {  	[tilespmem:s14], [sflag:$0x1] =	stream.indirect.gather [hbm4b:s4+s7], $0x80, s30, s7, $0xb8;
	[tilespmem:$0x19C00] =	vst v63  }
0x2c: {  	_ = 	snop  }
0x2d: {  	[tilespmem:s15], [sflag:$0x1] =	stream.indirect.gather [hbm4b:s4+s7], $0x80, s31, s7, $0xb8;
	[tilespmem:$0x19C00] =	vst v63  }
0x2e: {  	_ = 	snop  }
0x2f: {  	[tilespmem:s16], [sflag:$0x1] =	stream.indirect.gather [hbm4b:s4+s7], $0x80, s18, s7, $0xb8;
	[tilespmem:$0x19C00] =	vst v63  }
0x30: {  	_ =	swait.ge [sflag:s6], $0x2800  }
0x31: {  	[sflag:s6] =	ssyncset.done $0x0  }
0x32: {  	[sflag:s6] =	ssyncadd.s32 $0xFFFFD800  }
0x33: {  	_ =	swait.ge [sflag:s6], $0x2800  }
0x34: {  	[sflag:s6] =	ssyncset.done $0x0  }
0x35: {  	[sflag:s6] =	ssyncadd.s32 $0xFFFFD800  }
0x36: {  	_ =	swait.ge [sflag:s6], $0x2800  }
0x37: {  	[sflag:s6] =	ssyncset.done $0x0  }
0x38: {  	[sflag:s6] =	ssyncadd.s32 $0xFFFFD800  }
0x39: {  	_ =	swait.ge [sflag:s6], $0x2800  }
0x3a: {  	[sflag:s6] =	ssyncset.done $0x0  }
0x3b: {  	[sflag:s6] =	ssyncadd.s32 $0xFFFFD800  }
0x3c: {  	_ =	swait.ge [sflag:s6], $0x2800  }
0x3d: {  	[sflag:s6] =	ssyncset.done $0x0  }
0x3e: {  	[sflag:s6] =	ssyncadd.s32 $0xFFFFD800  }
0x3f: {  	_ =	swait.ge [sflag:s6], $0x2800  }
0x40: {  	[sflag:s6] =	ssyncset.done $0x0  }
0x41: {  	[sflag:s6] =	ssyncadd.s32 $0xFFFFD800  }
0x42: {  	_ =	swait.ge [sflag:s6], $0x2800  }
0x43: {  	[sflag:s6] =	ssyncset.done $0x0  }
0x44: {  	[sflag:s6] =	ssyncadd.s32 $0xFFFFD800  }
0x45: {  	_ =	swait.ge [sflag:s6], $0x2800  }
0x46: {  	[sflag:s6] =	ssyncset.done $0x0  }
0x47: {  	[sflag:s6] =	ssyncadd.s32 $0xFFFFD800  }
0x48: {  	_ =	swait.ge [sflag:s6], $0x2800  }
0x49: {  	[sflag:s6] =	ssyncset.done $0x0  }
0x4a: {  	[sflag:s6] =	ssyncadd.s32 $0xFFFFD800  }
0x4b: {  	_ =	swait.ge [sflag:s6], $0x2800  }
0x4c: {  	[sflag:s6] =	ssyncset.done $0x0  }
0x4d: {  	s1 =	rddreg [dreg:$0x5];
	[sflag:s6] =	ssyncadd.s32 $0xFFFFD800  }
0x4e: {  	[hbm4b:s1+s2] =	stream.linear.scatter [tilespmem:s5], [sflag:$0x2], $0x19000, $0x38;
	[tilespmem:$0x19C00] =	vst v63  }
0x4f: {  	_ =	swait.ge [sflag:s3], $0x19000  }
0x50: {  	[sflag:s3] =	ssyncset.done $0x0  }
0x51: {  	s1 =	simm.s32 $0x500;
	[sflag:s3] =	ssyncadd.s32 $0xFFFE7000  }
0x52: {  	[tilespmem:s5], [sflag:$0x1] =	stream.indirect.gather [hbm4b:s4+s7], $0x80, s1, s7, $0xb8;
	[tilespmem:$0x19C00] =	vst v63  }
0x53: {  	_ = 	snop  }
0x54: {  	[tilespmem:s8], [sflag:$0x1] =	stream.indirect.gather [hbm4b:s4+s7], $0x80, s19, s7, $0xb8;
	[tilespmem:$0x19C00] =	vst v63  }
0x55: {  	_ = 	snop  }
0x56: {  	[tilespmem:s9], [sflag:$0x1] =	stream.indirect.gather [hbm4b:s4+s7], $0x80, s20, s7, $0xb8;
	[tilespmem:$0x19C00] =	vst v63  }
0x57: {  	_ = 	snop  }
0x58: {  	[tilespmem:s10], [sflag:$0x1] =	stream.indirect.gather [hbm4b:s4+s7], $0x80, s21, s7, $0xb8;
	[tilespmem:$0x19C00] =	vst v63  }
0x59: {  	_ = 	snop  }
0x5a: {  	[tilespmem:s11], [sflag:$0x1] =	stream.indirect.gather [hbm4b:s4+s7], $0x80, s22, s7, $0xb8;
	[tilespmem:$0x19C00] =	vst v63  }
0x5b: {  	_ = 	snop  }
0x5c: {  	[tilespmem:s12], [sflag:$0x1] =	stream.indirect.gather [hbm4b:s4+s7], $0x80, s23, s7, $0xb8;
	[tilespmem:$0x19C00] =	vst v63  }
0x5d: {  	_ = 	snop  }
0x5e: {  	[tilespmem:s13], [sflag:$0x1] =	stream.indirect.gather [hbm4b:s4+s7], $0x80, s24, s7, $0xb8;
	[tilespmem:$0x19C00] =	vst v63  }
0x5f: {  	_ = 	snop  }
0x60: {  	[tilespmem:s14], [sflag:$0x1] =	stream.indirect.gather [hbm4b:s4+s7], $0x80, s25, s7, $0xb8;
	[tilespmem:$0x19C00] =	vst v63  }
0x61: {  	_ = 	snop  }
0x62: {  	[tilespmem:s15], [sflag:$0x1] =	stream.indirect.gather [hbm4b:s4+s7], $0x80, s26, s7, $0xb8;
	[tilespmem:$0x19C00] =	vst v63  }
0x63: {  	_ = 	snop  }
0x64: {  	[tilespmem:s16], [sflag:$0x1] =	stream.indirect.gather [hbm4b:s4+s7], $0x80, s28, s7, $0xb8;
	[tilespmem:$0x19C00] =	vst v63  }
0x65: {  	_ =	swait.ge [sflag:s6], $0x2800  }
0x66: {  	[sflag:s6] =	ssyncset.done $0x0  }
0x67: {  	[sflag:s6] =	ssyncadd.s32 $0xFFFFD800  }
0x68: {  	_ =	swait.ge [sflag:s6], $0x2800  }
0x69: {  	[sflag:s6] =	ssyncset.done $0x0  }
0x6a: {  	[sflag:s6] =	ssyncadd.s32 $0xFFFFD800  }
0x6b: {  	_ =	swait.ge [sflag:s6], $0x2800  }
0x6c: {  	[sflag:s6] =	ssyncset.done $0x0  }
0x6d: {  	[sflag:s6] =	ssyncadd.s32 $0xFFFFD800  }
0x6e: {  	_ =	swait.ge [sflag:s6], $0x2800  }
0x6f: {  	[sflag:s6] =	ssyncset.done $0x0  }
0x70: {  	[sflag:s6] =	ssyncadd.s32 $0xFFFFD800  }
0x71: {  	_ =	swait.ge [sflag:s6], $0x2800  }
0x72: {  	[sflag:s6] =	ssyncset.done $0x0  }
0x73: {  	[sflag:s6] =	ssyncadd.s32 $0xFFFFD800  }
0x74: {  	_ =	swait.ge [sflag:s6], $0x2800  }
0x75: {  	[sflag:s6] =	ssyncset.done $0x0  }
0x76: {  	[sflag:s6] =	ssyncadd.s32 $0xFFFFD800  }
0x77: {  	_ =	swait.ge [sflag:s6], $0x2800  }
0x78: {  	[sflag:s6] =	ssyncset.done $0x0  }
0x79: {  	[sflag:s6] =	ssyncadd.s32 $0xFFFFD800  }
0x7a: {  	_ =	swait.ge [sflag:s6], $0x2800  }
0x7b: {  	[sflag:s6] =	ssyncset.done $0x0  }
0x7c: {  	[sflag:s6] =	ssyncadd.s32 $0xFFFFD800  }
0x7d: {  	_ =	swait.ge [sflag:s6], $0x2800  }
0x7e: {  	[sflag:s6] =	ssyncset.done $0x0  }
0x7f: {  	[sflag:s6] =	ssyncadd.s32 $0xFFFFD800  }
0x80: {  	p1 =	sne.s32 s17, $0x1;
	_ =	swait.ge [sflag:s6], $0x2800  }
.Ltmp1:
0x81: {  	[sflag:s6] =	ssyncset.done $0x0;
	(pc) =	sbr.rel @!p1 .LBB2_3-.Ltmp1, $4  }
0x82: {  	s1 =	rddreg [dreg:$0x6];
	[sflag:s6] =	ssyncadd.s32 $0xFFFFD800  }
0x83: {  	[hbm4b:s1+s2] =	stream.linear.scatter [tilespmem:s5], [sflag:$0x2], $0x19000, $0x38;
	[tilespmem:$0x19C00] =	vst v63  }
0x84: {  	p0 =	por $0x1, $0x1;
	_ =	swait.ge [sflag:s3], $0x19000  }
0x85: {  	s1 =	sadd.s32 $0xFFFFFFFF, s17;
	s0 =	rddreg [dreg:$0x4];
	[sflag:s3] =	ssyncset.done $0x0  }
.LBB2_4:
0x86: {  	[sflag:s3] =	ssyncadd.s32 $0xFFFE7000  }
0x87: {  	[tilespmem:s2], [sflag:$0x2] =	stream.linear.gather [hbm4b:s0+s2], $0xA00, $0x38;
	[tilespmem:$0x19C00] =	vst v63  }
0x88: {  	_ =	swait.ge [sflag:s3], $0xA00  }
0x89: {  	[sflag:s3] =	ssyncset.done $0x0  }
0x8a: {  	[sflag:s3] =	ssyncadd.s32 $0xFFFFF600  }
0x8b: {  	[tilespmem:s5], [sflag:$0x1] =	stream.indirect.gather [hbm4b:s4+s7], $0x80, s2, s7, $0xb8;
	[tilespmem:$0x19C00] =	vst v63  }
0x8c: {  	s0 =	rddreg [dreg:$0x7]  }
0x8d: {  	[tilespmem:s8], [sflag:$0x1] =	stream.indirect.gather [hbm4b:s4+s7], $0x80, s0, s7, $0xb8;
	[tilespmem:$0x19C00] =	vst v63  }
0x8e: {  	s17 =	rddreg [dreg:$0x8]  }
0x8f: {  	[tilespmem:s9], [sflag:$0x1] =	stream.indirect.gather [hbm4b:s4+s7], $0x80, s17, s7, $0xb8;
	[tilespmem:$0x19C00] =	vst v63  }
0x90: {  	s0 =	rddreg [dreg:$0x9]  }
0x91: {  	[tilespmem:s10], [sflag:$0x1] =	stream.indirect.gather [hbm4b:s4+s7], $0x80, s0, s7, $0xb8;
	[tilespmem:$0x19C00] =	vst v63  }
0x92: {  	s17 =	rddreg [dreg:$0xa]  }
0x93: {  	[tilespmem:s11], [sflag:$0x1] =	stream.indirect.gather [hbm4b:s4+s7], $0x80, s17, s7, $0xb8;
	[tilespmem:$0x19C00] =	vst v63  }
0x94: {  	s0 =	rddreg [dreg:$0xb]  }
0x95: {  	[tilespmem:s12], [sflag:$0x1] =	stream.indirect.gather [hbm4b:s4+s7], $0x80, s0, s7, $0xb8;
	[tilespmem:$0x19C00] =	vst v63  }
0x96: {  	_ = 	snop  }
0x97: {  	[tilespmem:s13], [sflag:$0x1] =	stream.indirect.gather [hbm4b:s4+s7], $0x80, s29, s7, $0xb8;
	[tilespmem:$0x19C00] =	vst v63  }
0x98: {  	_ = 	snop  }
0x99: {  	[tilespmem:s14], [sflag:$0x1] =	stream.indirect.gather [hbm4b:s4+s7], $0x80, s30, s7, $0xb8;
	[tilespmem:$0x19C00] =	vst v63  }
0x9a: {  	_ = 	snop  }
0x9b: {  	[tilespmem:s15], [sflag:$0x1] =	stream.indirect.gather [hbm4b:s4+s7], $0x80, s31, s7, $0xb8;
	[tilespmem:$0x19C00] =	vst v63  }
0x9c: {  	_ = 	snop  }
0x9d: {  	[tilespmem:s16], [sflag:$0x1] =	stream.indirect.gather [hbm4b:s4+s7], $0x80, s18, s7, $0xb8;
	[tilespmem:$0x19C00] =	vst v63  }
0x9e: {  	_ =	swait.ge [sflag:s6], $0x2800  }
0x9f: {  	[sflag:s6] =	ssyncset.done $0x0  }
0xa0: {  	[sflag:s6] =	ssyncadd.s32 $0xFFFFD800  }
0xa1: {  	_ =	swait.ge [sflag:s6], $0x2800  }
0xa2: {  	[sflag:s6] =	ssyncset.done $0x0  }
0xa3: {  	[sflag:s6] =	ssyncadd.s32 $0xFFFFD800  }
0xa4: {  	_ =	swait.ge [sflag:s6], $0x2800  }
0xa5: {  	[sflag:s6] =	ssyncset.done $0x0  }
0xa6: {  	[sflag:s6] =	ssyncadd.s32 $0xFFFFD800  }
0xa7: {  	_ =	swait.ge [sflag:s6], $0x2800  }
0xa8: {  	[sflag:s6] =	ssyncset.done $0x0  }
0xa9: {  	[sflag:s6] =	ssyncadd.s32 $0xFFFFD800  }
0xaa: {  	_ =	swait.ge [sflag:s6], $0x2800  }
0xab: {  	[sflag:s6] =	ssyncset.done $0x0  }
0xac: {  	[sflag:s6] =	ssyncadd.s32 $0xFFFFD800  }
0xad: {  	_ =	swait.ge [sflag:s6], $0x2800  }
0xae: {  	[sflag:s6] =	ssyncset.done $0x0  }
0xaf: {  	[sflag:s6] =	ssyncadd.s32 $0xFFFFD800  }
0xb0: {  	_ =	swait.ge [sflag:s6], $0x2800  }
0xb1: {  	[sflag:s6] =	ssyncset.done $0x0  }
0xb2: {  	[sflag:s6] =	ssyncadd.s32 $0xFFFFD800  }
0xb3: {  	_ =	swait.ge [sflag:s6], $0x2800  }
0xb4: {  	[sflag:s6] =	ssyncset.done $0x0  }
0xb5: {  	[sflag:s6] =	ssyncadd.s32 $0xFFFFD800  }
0xb6: {  	_ =	swait.ge [sflag:s6], $0x2800  }
0xb7: {  	[sflag:s6] =	ssyncset.done $0x0  }
0xb8: {  	[sflag:s6] =	ssyncadd.s32 $0xFFFFD800  }
0xb9: {  	_ =	swait.ge [sflag:s6], $0x2800  }
0xba: {  	[sflag:s6] =	ssyncset.done $0x0  }
0xbb: {  	s17 =	rddreg [dreg:$0x5];
	[sflag:s6] =	ssyncadd.s32 $0xFFFFD800  }
0xbc: {  	[hbm4b:s17+s2] =	stream.linear.scatter [tilespmem:s5], [sflag:$0x2], $0x19000, $0x38;
	[tilespmem:$0x19C00] =	vst v63  }
0xbd: {  	_ =	swait.ge [sflag:s3], $0x19000  }
0xbe: {  	[sflag:s3] =	ssyncset.done $0x0  }
0xbf: {  	s17 =	simm.s32 $0x500;
	[sflag:s3] =	ssyncadd.s32 $0xFFFE7000  }
0xc0: {  	[tilespmem:s5], [sflag:$0x1] =	stream.indirect.gather [hbm4b:s4+s7], $0x80, s17, s7, $0xb8;
	[tilespmem:$0x19C00] =	vst v63  }
0xc1: {  	_ = 	snop  }
0xc2: {  	[tilespmem:s8], [sflag:$0x1] =	stream.indirect.gather [hbm4b:s4+s7], $0x80, s19, s7, $0xb8;
	[tilespmem:$0x19C00] =	vst v63  }
0xc3: {  	_ = 	snop  }
0xc4: {  	[tilespmem:s9], [sflag:$0x1] =	stream.indirect.gather [hbm4b:s4+s7], $0x80, s20, s7, $0xb8;
	[tilespmem:$0x19C00] =	vst v63  }
0xc5: {  	_ = 	snop  }
0xc6: {  	[tilespmem:s10], [sflag:$0x1] =	stream.indirect.gather [hbm4b:s4+s7], $0x80, s21, s7, $0xb8;
	[tilespmem:$0x19C00] =	vst v63  }
0xc7: {  	_ = 	snop  }
0xc8: {  	[tilespmem:s11], [sflag:$0x1] =	stream.indirect.gather [hbm4b:s4+s7], $0x80, s22, s7, $0xb8;
	[tilespmem:$0x19C00] =	vst v63  }
0xc9: {  	_ = 	snop  }
0xca: {  	[tilespmem:s12], [sflag:$0x1] =	stream.indirect.gather [hbm4b:s4+s7], $0x80, s23, s7, $0xb8;
	[tilespmem:$0x19C00] =	vst v63  }
0xcb: {  	_ = 	snop  }
0xcc: {  	[tilespmem:s13], [sflag:$0x1] =	stream.indirect.gather [hbm4b:s4+s7], $0x80, s24, s7, $0xb8;
	[tilespmem:$0x19C00] =	vst v63  }
0xcd: {  	_ = 	snop  }
0xce: {  	[tilespmem:s14], [sflag:$0x1] =	stream.indirect.gather [hbm4b:s4+s7], $0x80, s25, s7, $0xb8;
	[tilespmem:$0x19C00] =	vst v63  }
0xcf: {  	_ = 	snop  }
0xd0: {  	[tilespmem:s15], [sflag:$0x1] =	stream.indirect.gather [hbm4b:s4+s7], $0x80, s26, s7, $0xb8;
	[tilespmem:$0x19C00] =	vst v63  }
0xd1: {  	_ = 	snop  }
0xd2: {  	[tilespmem:s16], [sflag:$0x1] =	stream.indirect.gather [hbm4b:s4+s7], $0x80, s28, s7, $0xb8;
	[tilespmem:$0x19C00] =	vst v63  }
0xd3: {  	_ =	swait.ge [sflag:s6], $0x2800  }
0xd4: {  	[sflag:s6] =	ssyncset.done $0x0  }
0xd5: {  	[sflag:s6] =	ssyncadd.s32 $0xFFFFD800  }
0xd6: {  	_ =	swait.ge [sflag:s6], $0x2800  }
0xd7: {  	[sflag:s6] =	ssyncset.done $0x0  }
0xd8: {  	[sflag:s6] =	ssyncadd.s32 $0xFFFFD800  }
0xd9: {  	_ =	swait.ge [sflag:s6], $0x2800  }
0xda: {  	[sflag:s6] =	ssyncset.done $0x0  }
0xdb: {  	[sflag:s6] =	ssyncadd.s32 $0xFFFFD800  }
0xdc: {  	_ =	swait.ge [sflag:s6], $0x2800  }
0xdd: {  	[sflag:s6] =	ssyncset.done $0x0  }
0xde: {  	[sflag:s6] =	ssyncadd.s32 $0xFFFFD800  }
0xdf: {  	_ =	swait.ge [sflag:s6], $0x2800  }
0xe0: {  	[sflag:s6] =	ssyncset.done $0x0  }
0xe1: {  	[sflag:s6] =	ssyncadd.s32 $0xFFFFD800  }
0xe2: {  	_ =	swait.ge [sflag:s6], $0x2800  }
0xe3: {  	[sflag:s6] =	ssyncset.done $0x0  }
0xe4: {  	[sflag:s6] =	ssyncadd.s32 $0xFFFFD800  }
0xe5: {  	_ =	swait.ge [sflag:s6], $0x2800  }
0xe6: {  	[sflag:s6] =	ssyncset.done $0x0  }
0xe7: {  	[sflag:s6] =	ssyncadd.s32 $0xFFFFD800  }
0xe8: {  	_ =	swait.ge [sflag:s6], $0x2800  }
0xe9: {  	[sflag:s6] =	ssyncset.done $0x0  }
0xea: {  	[sflag:s6] =	ssyncadd.s32 $0xFFFFD800  }
0xeb: {  	_ =	swait.ge [sflag:s6], $0x2800  }
0xec: {  	[sflag:s6] =	ssyncset.done $0x0  }
0xed: {  	[sflag:s6] =	ssyncadd.s32 $0xFFFFD800  }
0xee: {  	p1 =	sne.s32 s1, $0x1;
	_ =	swait.ge [sflag:s6], $0x2800  }
.Ltmp2:
0xef: {  	[sflag:s6] =	ssyncset.done $0x0;
	(pc) =	sbr.rel @p1 .LBB2_4-.Ltmp2, $4  }
0xf0: {  	s17 =	rddreg [dreg:$0x6];
	[sflag:s6] =	ssyncadd.s32 $0xFFFFD800  }
0xf1: {  	[hbm4b:s17+s2] =	stream.linear.scatter [tilespmem:s5], [sflag:$0x2], $0x19000, $0x38;
	[tilespmem:$0x19C00] =	vst v63  }
0xf2: {  	_ =	swait.ge [sflag:s3], $0x19000  }
0xf3: {  	s1 =	sadd.s32 $0xFFFFFFFF, s1;
	s0 =	rddreg [dreg:$0x4];
	[sflag:s3] =	ssyncset.done $0x0  }
0xf4: {  	s28 =	simm.s32 $0x480;
	s31 =	simm.s32 $0x400  }
0xf5: {  	s30 =	simm.s32 $0x380;
	s29 =	simm.s32 $0x300;
	s26 =	simm.s32 $0x900  }
0xf6: {  	s25 =	simm.s32 $0x880;
	s24 =	simm.s32 $0x800;
	s23 =	simm.s32 $0x780  }
0xf7: {  	s22 =	simm.s32 $0x700;
	s21 =	simm.s32 $0x680;
	s20 =	simm.s32 $0x600  }
0xf8: {  	s19 =	simm.s32 $0x580;
	s18 =	simm.s32 $0x500;
	s17 =	stileid.u32  }
.LBB2_6:
0xf9: {  	[sflag:s3] =	ssyncadd.s32 @p0 $0xFFFE7000  }
0xfa: {  	[tilespmem:s2], [sflag:$0x2] =	stream.linear.gather [hbm4b:s0+s2], $0xA00, $0x38;
	[tilespmem:$0x19C00] =	vst v63  }
0xfb: {  	_ =	swait.ge [sflag:s3], $0xA00  }
0xfc: {  	[sflag:s3] =	ssyncset.done $0x0  }
0xfd: {  	[sflag:s3] =	ssyncadd.s32 $0xFFFFF600  }
0xfe: {  	[tilespmem:s5], [sflag:$0x1] =	stream.indirect.gather [hbm4b:s4+s7], $0x80, s2, s7, $0xb8;
	[tilespmem:$0x19C00] =	vst v63  }
0xff: {  	s0 =	rddreg [dreg:$0x7]  }
0x100: {  	[tilespmem:s8], [sflag:$0x1] =	stream.indirect.gather [hbm4b:s4+s7], $0x80, s0, s7, $0xb8;
	[tilespmem:$0x19C00] =	vst v63  }
0x101: {  	s1 =	rddreg [dreg:$0x8]  }
0x102: {  	[tilespmem:s9], [sflag:$0x1] =	stream.indirect.gather [hbm4b:s4+s7], $0x80, s1, s7, $0xb8;
	[tilespmem:$0x19C00] =	vst v63  }
0x103: {  	s0 =	rddreg [dreg:$0x9]  }
0x104: {  	[tilespmem:s10], [sflag:$0x1] =	stream.indirect.gather [hbm4b:s4+s7], $0x80, s0, s7, $0xb8;
	[tilespmem:$0x19C00] =	vst v63  }
0x105: {  	s1 =	rddreg [dreg:$0xa]  }
0x106: {  	[tilespmem:s11], [sflag:$0x1] =	stream.indirect.gather [hbm4b:s4+s7], $0x80, s1, s7, $0xb8;
	[tilespmem:$0x19C00] =	vst v63  }
0x107: {  	s0 =	rddreg [dreg:$0xb]  }
0x108: {  	[tilespmem:s12], [sflag:$0x1] =	stream.indirect.gather [hbm4b:s4+s7], $0x80, s0, s7, $0xb8;
	[tilespmem:$0x19C00] =	vst v63  }
0x109: {  	_ = 	snop  }
0x10a: {  	[tilespmem:s13], [sflag:$0x1] =	stream.indirect.gather [hbm4b:s4+s7], $0x80, s29, s7, $0xb8;
	[tilespmem:$0x19C00] =	vst v63  }
0x10b: {  	_ = 	snop  }
0x10c: {  	[tilespmem:s14], [sflag:$0x1] =	stream.indirect.gather [hbm4b:s4+s7], $0x80, s30, s7, $0xb8;
	[tilespmem:$0x19C00] =	vst v63  }
0x10d: {  	_ = 	snop  }
0x10e: {  	[tilespmem:s15], [sflag:$0x1] =	stream.indirect.gather [hbm4b:s4+s7], $0x80, s31, s7, $0xb8;
	[tilespmem:$0x19C00] =	vst v63  }
0x10f: {  	_ = 	snop  }
0x110: {  	[tilespmem:s16], [sflag:$0x1] =	stream.indirect.gather [hbm4b:s4+s7], $0x80, s28, s7, $0xb8;
	[tilespmem:$0x19C00] =	vst v63  }
0x111: {  	_ =	swait.ge [sflag:s6], $0x2800  }
0x112: {  	[sflag:s6] =	ssyncset.done $0x0  }
0x113: {  	[sflag:s6] =	ssyncadd.s32 $0xFFFFD800  }
0x114: {  	_ =	swait.ge [sflag:s6], $0x2800  }
0x115: {  	[sflag:s6] =	ssyncset.done $0x0  }
0x116: {  	[sflag:s6] =	ssyncadd.s32 $0xFFFFD800  }
0x117: {  	_ =	swait.ge [sflag:s6], $0x2800  }
0x118: {  	[sflag:s6] =	ssyncset.done $0x0  }
0x119: {  	[sflag:s6] =	ssyncadd.s32 $0xFFFFD800  }
0x11a: {  	_ =	swait.ge [sflag:s6], $0x2800  }
0x11b: {  	[sflag:s6] =	ssyncset.done $0x0  }
0x11c: {  	[sflag:s6] =	ssyncadd.s32 $0xFFFFD800  }
0x11d: {  	_ =	swait.ge [sflag:s6], $0x2800  }
0x11e: {  	[sflag:s6] =	ssyncset.done $0x0  }
0x11f: {  	[sflag:s6] =	ssyncadd.s32 $0xFFFFD800  }
0x120: {  	_ =	swait.ge [sflag:s6], $0x2800  }
0x121: {  	[sflag:s6] =	ssyncset.done $0x0  }
0x122: {  	[sflag:s6] =	ssyncadd.s32 $0xFFFFD800  }
0x123: {  	_ =	swait.ge [sflag:s6], $0x2800  }
0x124: {  	[sflag:s6] =	ssyncset.done $0x0  }
0x125: {  	[sflag:s6] =	ssyncadd.s32 $0xFFFFD800  }
0x126: {  	_ =	swait.ge [sflag:s6], $0x2800  }
0x127: {  	[sflag:s6] =	ssyncset.done $0x0  }
0x128: {  	[sflag:s6] =	ssyncadd.s32 $0xFFFFD800  }
0x129: {  	_ =	swait.ge [sflag:s6], $0x2800  }
0x12a: {  	[sflag:s6] =	ssyncset.done $0x0  }
0x12b: {  	[sflag:s6] =	ssyncadd.s32 $0xFFFFD800  }
0x12c: {  	_ =	swait.ge [sflag:s6], $0x2800  }
0x12d: {  	[sflag:s6] =	ssyncset.done $0x0  }
0x12e: {  	s29 =	rddreg [dreg:$0x5];
	[sflag:s6] =	ssyncadd.s32 $0xFFFFD800  }
0x12f: {  	[hbm4b:s29+s2] =	stream.linear.scatter [tilespmem:s5], [sflag:$0x2], $0x19000, $0x38;
	[tilespmem:$0x19C00] =	vst v63  }
0x130: {  	_ =	swait.ge [sflag:s3], $0x19000  }
0x131: {  	[sflag:s3] =	ssyncset.done $0x0  }
0x132: {  	[sflag:s3] =	ssyncadd.s32 $0xFFFE7000  }
0x133: {  	[tilespmem:s5], [sflag:$0x1] =	stream.indirect.gather [hbm4b:s4+s7], $0x80, s18, s7, $0xb8;
	[tilespmem:$0x19C00] =	vst v63  }
0x134: {  	_ = 	snop  }
0x135: {  	[tilespmem:s8], [sflag:$0x1] =	stream.indirect.gather [hbm4b:s4+s7], $0x80, s19, s7, $0xb8;
	[tilespmem:$0x19C00] =	vst v63  }
0x136: {  	_ = 	snop  }
0x137: {  	[tilespmem:s9], [sflag:$0x1] =	stream.indirect.gather [hbm4b:s4+s7], $0x80, s20, s7, $0xb8;
	[tilespmem:$0x19C00] =	vst v63  }
0x138: {  	_ = 	snop  }
0x139: {  	[tilespmem:s10], [sflag:$0x1] =	stream.indirect.gather [hbm4b:s4+s7], $0x80, s21, s7, $0xb8;
	[tilespmem:$0x19C00] =	vst v63  }
0x13a: {  	_ = 	snop  }
0x13b: {  	[tilespmem:s11], [sflag:$0x1] =	stream.indirect.gather [hbm4b:s4+s7], $0x80, s22, s7, $0xb8;
	[tilespmem:$0x19C00] =	vst v63  }
0x13c: {  	_ = 	snop  }
0x13d: {  	[tilespmem:s12], [sflag:$0x1] =	stream.indirect.gather [hbm4b:s4+s7], $0x80, s23, s7, $0xb8;
	[tilespmem:$0x19C00] =	vst v63  }
0x13e: {  	_ = 	snop  }
0x13f: {  	[tilespmem:s13], [sflag:$0x1] =	stream.indirect.gather [hbm4b:s4+s7], $0x80, s24, s7, $0xb8;
	[tilespmem:$0x19C00] =	vst v63  }
0x140: {  	_ = 	snop  }
0x141: {  	[tilespmem:s14], [sflag:$0x1] =	stream.indirect.gather [hbm4b:s4+s7], $0x80, s25, s7, $0xb8;
	[tilespmem:$0x19C00] =	vst v63  }
0x142: {  	_ = 	snop  }
0x143: {  	[tilespmem:s15], [sflag:$0x1] =	stream.indirect.gather [hbm4b:s4+s7], $0x80, s26, s7, $0xb8;
	[tilespmem:$0x19C00] =	vst v63  }
0x144: {  	s30 =	simm.s32 $0x980  }
0x145: {  	[tilespmem:s16], [sflag:$0x1] =	stream.indirect.gather [hbm4b:s4+s7], $0x80, s30, s7, $0xb8;
	[tilespmem:$0x19C00] =	vst v63  }
0x146: {  	_ =	swait.ge [sflag:s6], $0x2800  }
0x147: {  	[sflag:s6] =	ssyncset.done $0x0  }
0x148: {  	[sflag:s6] =	ssyncadd.s32 $0xFFFFD800  }
0x149: {  	_ =	swait.ge [sflag:s6], $0x2800  }
0x14a: {  	[sflag:s6] =	ssyncset.done $0x0  }
0x14b: {  	[sflag:s6] =	ssyncadd.s32 $0xFFFFD800  }
0x14c: {  	_ =	swait.ge [sflag:s6], $0x2800  }
0x14d: {  	[sflag:s6] =	ssyncset.done $0x0  }
0x14e: {  	[sflag:s6] =	ssyncadd.s32 $0xFFFFD800  }
0x14f: {  	_ =	swait.ge [sflag:s6], $0x2800  }
0x150: {  	[sflag:s6] =	ssyncset.done $0x0  }
0x151: {  	[sflag:s6] =	ssyncadd.s32 $0xFFFFD800  }
0x152: {  	_ =	swait.ge [sflag:s6], $0x2800  }
0x153: {  	[sflag:s6] =	ssyncset.done $0x0  }
0x154: {  	[sflag:s6] =	ssyncadd.s32 $0xFFFFD800  }
0x155: {  	_ =	swait.ge [sflag:s6], $0x2800  }
0x156: {  	[sflag:s6] =	ssyncset.done $0x0  }
0x157: {  	[sflag:s6] =	ssyncadd.s32 $0xFFFFD800  }
0x158: {  	_ =	swait.ge [sflag:s6], $0x2800  }
0x159: {  	[sflag:s6] =	ssyncset.done $0x0  }
0x15a: {  	[sflag:s6] =	ssyncadd.s32 $0xFFFFD800  }
0x15b: {  	_ =	swait.ge [sflag:s6], $0x2800  }
0x15c: {  	[sflag:s6] =	ssyncset.done $0x0  }
0x15d: {  	[sflag:s6] =	ssyncadd.s32 $0xFFFFD800  }
0x15e: {  	_ =	swait.ge [sflag:s6], $0x2800  }
0x15f: {  	[sflag:s6] =	ssyncset.done $0x0  }
0x160: {  	[sflag:s6] =	ssyncadd.s32 $0xFFFFD800  }
0x161: {  	_ =	swait.ge [sflag:s6], $0x2800  }
0x162: {  	[sflag:s6] =	ssyncset.done $0x0  }
0x163: {  	s31 =	rddreg [dreg:$0x6];
	[sflag:s6] =	ssyncadd.s32 $0xFFFFD800  }
0x164: {  	[hbm4b:s31+s2] =	stream.linear.scatter [tilespmem:s5], [sflag:$0x2], $0x19000, $0x38;
	[tilespmem:$0x19C00] =	vst v63  }
0x165: {  	_ =	swait.ge [sflag:s3], $0x19000  }
0x166: {  	[sflag:s3] =	ssyncset.done $0x0  }
0x167: {  	[sflag:s3] =	ssyncadd.s32 $0xFFFE7000  }
0x168: {  	_ =	sfence.sel $0x180000  }
0x169: {  	[bflag:$0x0] =	sbarrier.arrive $0xFFFF  }
0x16a: {  	_ =	strace $0x90000047  }
0x16b: {  	[bflag:$0x2] =	sbarrier.arrive $0xFFFF  }
0x16c: {  	p0 =	sne.s32 s17, $0x0;
	s0 =	rddreg [dreg:$0x3]  }
0x16d: {  	s0 =	sadd.s32 @!p0 $0x100000, s0  }
0x16e: {  	[sflag:s0] =	ssyncadd.tile.s32 @!p0 $0x1;
	_ =	shalt  }
.LBB2_1:
.Ltmp3:
0x16f: {  	s28 =	simm.s32 $0x480;
	(pc) =	sbr.rel .LBB2_6-.Ltmp3, $4  }
0x170: {  	s31 =	simm.s32 $0x400;
	s30 =	simm.s32 $0x380;
	s29 =	simm.s32 $0x300  }
0x171: {  	s26 =	simm.s32 $0x900;
	s25 =	simm.s32 $0x880;
	s24 =	simm.s32 $0x800  }
0x172: {  	s23 =	simm.s32 $0x780;
	s22 =	simm.s32 $0x700;
	s21 =	simm.s32 $0x680  }
0x173: {  	s20 =	simm.s32 $0x600;
	s19 =	simm.s32 $0x580;
	s18 =	simm.s32 $0x500  }
.LBB2_3:
.Ltmp4:
0x174: {  	s28 =	simm.s32 $0x480;
	s31 =	simm.s32 $0x400;
	(pc) =	sbr.rel .LBB2_6-.Ltmp4, $4  }
0x175: {  	s30 =	simm.s32 $0x380;
	s29 =	simm.s32 $0x300;
	s26 =	simm.s32 $0x900  }
0x176: {  	s25 =	simm.s32 $0x880;
	s24 =	simm.s32 $0x800;
	s23 =	simm.s32 $0x780  }
0x177: {  	s22 =	simm.s32 $0x700;
	s21 =	simm.s32 $0x680;
	s20 =	simm.s32 $0x600  }
0x178: {  	s19 =	simm.s32 $0x580;
	s18 =	simm.s32 $0x500;
	s17 =	stileid.u32  }
.Lfunc_end2:
_tile_overlayer_lowered:
.L_overlay_start_2:
0x179: {  	(tag) =	ssettag $0x2  }
0x17a: {  	s0 =	rddreg [dreg:$0x0];
	s2 =	stileid.u32  }
0x17b: {  	s1 =	rddreg [dreg:$0x1];
	p0 =	sne.s32 s2, $0x0  }
0x17c: {  	s3 =	rddreg [dreg:$0x2];
	[bflag:$0x3] =	sbarrier.arrive $0xFFFF;
	s2 =	simm.s32 @!p0 $0x1C02  }
0x17d: {  	[timem:s3], [sflag:s2] =	dma.local @!p0 [hbm:s0], s1  }
0x17e: {  	s0 =	simm.s32 @!p0 $0x2  }
0x17f: {  	_ =	swait.ge @!p0 [sflag:s0], s1  }
0x180: {  	s1 =	ssub.s32 @!p0 $0x0, s1;
	[sflag:s0] =	ssyncset.done @!p0 $0x0  }
0x181: {  	[sflag:s0] =	ssyncadd.s32 @!p0 s1  }
0x182: {  	[bflag:$0x3] =	sbarrier.arrive $0xFFFF  }
0x183: {  	_ =	shalt  }

</sc_bundles>
